<compile_context>
chip_gen: v7x
topology: tpu7x:2x2x1
jax: 0.10.2.dev20260603
libtpu: 0.0.44.dev20260713+nightly
codegen_flags: <defaults>
</compile_context>

<pallas_src>
import functools

import jax
import jax.numpy as jnp
from jax import lax
from jax.experimental import pallas as pl
from jax.experimental.pallas import tpu as pltpu
from jax.experimental.pallas import tpu_sc as plsc

_N_USERS = 10000
_N_DISHES = 10000
_E = 320000
_D = 128

_NS = 16
_CHUNK = 128
_CPT = 160
_E_PAD = _NS * _CPT * _CHUNK
_ACC_ROWS = 10240
_TRASH = 10239
_IB = 16
_ZPT = _ACC_ROWS // _NS
_OPT = 632
_OUT_PAD = _NS * _OPT



def _proj2_body(x_ref, wa_ref, ba_ref, wb_ref, bb_ref, a_ref, b_ref):
    x = x_ref[...]
    a_ref[...] = jnp.maximum(
        jnp.dot(x, wa_ref[...], preferred_element_type=jnp.float32)
        + ba_ref[...], 0.0)
    b_ref[...] = jnp.maximum(
        jnp.dot(x, wb_ref[...], preferred_element_type=jnp.float32)
        + bb_ref[...], 0.0)


def _proj2(x, wa, ba, wb, bb, bn=1000):
    n = x.shape[0]
    xspec = pl.BlockSpec((bn, _D), lambda i: (i, 0))
    wspec = pl.BlockSpec((_D, _D), lambda i: (0, 0))
    bspec = pl.BlockSpec((1, _D), lambda i: (0, 0))
    return pl.pallas_call(
        _proj2_body,
        grid=(n // bn,),
        in_specs=[xspec, wspec, bspec, wspec, bspec],
        out_specs=[xspec, xspec],
        out_shape=[jax.ShapeDtypeStruct((n, _D), jnp.float32)] * 2,
    )(x, wa, ba.reshape(1, _D), wb, bb.reshape(1, _D))


def _post_body(agg_ref, init_ref, wu_ref, bu_ref, wp_ref, bp_ref, out_ref):
    h = jnp.maximum(
        jnp.dot(agg_ref[...] + init_ref[...], wu_ref[...],
                preferred_element_type=jnp.float32) + bu_ref[...], 0.0)
    out_ref[...] = (jnp.dot(h, wp_ref[...],
                            preferred_element_type=jnp.float32) + bp_ref[...])


def _post(agg, init, wu, bu, wp, bp, bn=1000):
    n = agg.shape[0]
    xspec = pl.BlockSpec((bn, _D), lambda i: (i, 0))
    wspec = pl.BlockSpec((_D, _D), lambda i: (0, 0))
    bspec = pl.BlockSpec((1, _D), lambda i: (0, 0))
    return pl.pallas_call(
        _post_body,
        grid=(n // bn,),
        in_specs=[xspec, xspec, wspec, bspec, wspec, bspec],
        out_specs=xspec,
        out_shape=jax.ShapeDtypeStruct((n, _D), jnp.float32),
    )(agg, init, wu, bu.reshape(1, _D), wp, bp.reshape(1, _D))



def _sc_agg(g0, s0, g1, s1, table_u, table_d):
    mesh = plsc.VectorSubcoreMesh(core_axis_name="c", subcore_axis_name="s")

    @functools.partial(
        pl.kernel,
        out_type=[jax.ShapeDtypeStruct((_OUT_PAD, _D), jnp.float32),
                  jax.ShapeDtypeStruct((_OUT_PAD, _D), jnp.float32)],
        mesh=mesh,
        scratch_types=[
            pltpu.VMEM((_IB, _CHUNK), jnp.int32),
            pltpu.VMEM((_IB, _CHUNK), jnp.int32),
            pltpu.VMEM((_CHUNK, _D), jnp.float32),
            pltpu.VMEM((_CHUNK, _D), jnp.float32),
            pltpu.VMEM_SHARED((_ACC_ROWS, _D), jnp.float32),
            pltpu.SemaphoreType.DMA,
            pltpu.SemaphoreType.DMA,
            pltpu.SemaphoreType.DMA,
            pltpu.SemaphoreType.DMA,
        ],
    )
    def k(g0_h, s0_h, g1_h, s1_h, tu_h, td_h, uout_h, dout_h,
          gidx, sidx, rows, rows1, acc, sem, gsem1, ssem0, ssem1):
        core = lax.axis_index("c")
        tile = lax.axis_index("s")

        zero = jnp.zeros((16,), jnp.float32)

        def zrow(i, c):
            rows[i // 8, pl.ds((i % 8) * 16, 16)] = zero
            return c
        lax.fori_loop(0, _CHUNK * 8, zrow, 0)
        for z in range(_ZPT // _CHUNK):
            pltpu.sync_copy(rows, acc.at[pl.ds(tile * _ZPT + z * _CHUNK,
                                               _CHUNK)])
        plsc.subcore_barrier()

        def side(g_h, s_h, t_h, o_h):
            rbufs = (rows, rows1)
            gsems = (sem, gsem1)
            ssems = (ssem0, ssem1)

            def blk(b, c):
                base = tile * _CPT + b * _IB
                pltpu.sync_copy(g_h.at[pl.ds(base, _IB)], gidx)
                pltpu.sync_copy(s_h.at[pl.ds(base, _IB)], sidx)
                gd = [None, None]
                gd[0] = pltpu.async_copy(t_h.at[gidx.at[0]], rbufs[0],
                                         gsems[0])
                for j in range(_IB):
                    p = j % 2
                    q = (j + 1) % 2
                    if j + 1 < _IB:
                        gd[q] = pltpu.async_copy(t_h.at[gidx.at[j + 1]],
                                                 rbufs[q], gsems[q])
                    gd[p].wait()
                return c
            lax.fori_loop(0, _CPT // _IB, blk, 0)
            plsc.subcore_barrier()
            pltpu.sync_copy(acc.at[pl.ds(tile * _OPT, _OPT)],
                            o_h.at[pl.ds(tile * _OPT, _OPT)])

        @pl.when(core == 0)
        def _user_side():
            side(g0_h, s0_h, tu_h, uout_h)

        @pl.when(core == 1)
        def _dish_side():
            side(g1_h, s1_h, td_h, dout_h)

    return k(g0, s0, g1, s1, table_u, table_d)



def kernel(user_x, dish_x, edge_index,
           W_ui, b_ui, W_di, b_di,
           W_um, b_um, W_uu, b_uu, W_up, b_up,
           W_dm, b_dm, W_du, b_du, W_dp, b_dp):
    e_user = edge_index[0]
    e_dish = edge_index[1]
    pad = _E_PAD - _E
    zpad = jnp.zeros((pad,), jnp.int32)
    tpad = jnp.full((pad,), _TRASH, jnp.int32)
    g0 = jnp.concatenate([e_dish, zpad]).reshape(_NS * _CPT, _CHUNK)
    s0 = jnp.concatenate([e_user, tpad]).reshape(_NS * _CPT, _CHUNK)
    g1 = jnp.concatenate([e_user, zpad]).reshape(_NS * _CPT, _CHUNK)
    s1 = jnp.concatenate([e_dish, tpad]).reshape(_NS * _CPT, _CHUNK)

    user_initial, table_d = _proj2(user_x, W_ui, b_ui, W_dm, b_dm)
    dish_initial, table_u = _proj2(dish_x, W_di, b_di, W_um, b_um)

    user_agg, dish_agg = _sc_agg(g0, s0, g1, s1, table_u, table_d)
    user_agg = user_agg[:_N_USERS]
    dish_agg = dish_agg[:_N_DISHES]

    user_emb = _post(user_agg, user_initial, W_uu, b_uu, W_up, b_up)
    dish_emb = _post(dish_agg, dish_initial, W_du, b_du, W_dp, b_dp)
    return (user_emb, dish_emb)

# --- scband reference (transcript-rebuilt; emitter-appended) ---
"""Pipeline reference for scband-bipartite-gnn-16947940950559 (READ-ONLY COPY).

The authoritative reference and input builder live on the scoring server;
editing this copy changes nothing except your own understanding.
"""

import jax, jax.numpy as jnp
import numpy as np

N_USERS = 10000
N_DISHES = 10000
E = 320000
D = 128   # input feature dim
H = 128   # hidden_dim
OUT = 128 # output_dim


def _dense_params(key, din, dout):
    kw, _ = jax.random.split(key)
    W = jax.random.normal(kw, (din, dout), dtype=jnp.float32) * (1.0 / np.sqrt(din))
    b = jnp.zeros((dout,), dtype=jnp.float32)
    return W, b


def setup_inputs(seed: int = 0) -> dict:
    key = jax.random.key(seed)
    ks = jax.random.split(key, 11)
    user_x = jax.random.normal(ks[0], (N_USERS, D), dtype=jnp.float32)
    dish_x = jax.random.normal(ks[1], (N_DISHES, D), dtype=jnp.float32)
    src = jax.random.randint(ks[2], (1, E), 0, N_USERS, dtype=jnp.int32)
    dst = jax.random.randint(ks[3], (1, E), 0, N_DISHES, dtype=jnp.int32)
    edge_index = jnp.concatenate([src, dst], axis=0)  # row 0: user ids, row 1: dish ids
    W_ui, b_ui = _dense_params(ks[4], D, H)   # user_initial_proj
    W_di, b_di = _dense_params(ks[5], D, H)   # dish_initial_proj
    W_um, b_um = _dense_params(ks[6], D, H)   # user_message_fn (applied to dish sender feats)
    W_uu, b_uu = _dense_params(ks[7], H, H)   # user_update_fn
    W_up, b_up = _dense_params(ks[8], H, OUT) # user_proj
    W_dm, b_dm = _dense_params(ks[9], D, H)   # dish_message_fn (applied to user sender feats)
    W_du, b_du = _dense_params(ks[10], H, H)  # dish_update_fn
    kd = jax.random.fold_in(key, 123)
    W_dp, b_dp = _dense_params(kd, H, OUT)    # dish_proj
    return {
        'user_x': user_x, 'dish_x': dish_x, 'edge_index': edge_index,
        'W_ui': W_ui, 'b_ui': b_ui, 'W_di': W_di, 'b_di': b_di,
        'W_um': W_um, 'b_um': b_um, 'W_uu': W_uu, 'b_uu': b_uu,
        'W_up': W_up, 'b_up': b_up, 'W_dm': W_dm, 'b_dm': b_dm,
        'W_du': W_du, 'b_du': b_du, 'W_dp': W_dp, 'b_dp': b_dp,
    }


def reference(user_x, dish_x, edge_index,
              W_ui, b_ui, W_di, b_di,
              W_um, b_um, W_uu, b_uu, W_up, b_up,
              W_dm, b_dm, W_du, b_du, W_dp, b_dp):
    e_user = edge_index[0]
    e_dish = edge_index[1]

    user_initial = jax.nn.relu(user_x @ W_ui + b_ui)
    dish_initial = jax.nn.relu(dish_x @ W_di + b_di)

    # interacts_reverse: dish -> user; SimpleConv gathers sender (dish) feats per edge,
    # applies user_message_fn, reduces by sum onto user nodes
    dish_sender = jnp.take(dish_x, e_dish, axis=0)            # [E, D] gather
    msg_u = jax.nn.relu(dish_sender @ W_um + b_um)            # [E, H]
    user_agg = jax.ops.segment_sum(msg_u, e_user, num_segments=N_USERS)
    user_updated = jax.nn.relu((user_agg + user_initial) @ W_uu + b_uu)
    user_emb = user_updated @ W_up + b_up

    # interacts: user -> dish
    user_sender = jnp.take(user_x, e_user, axis=0)            # [E, D] gather
    msg_d = jax.nn.relu(user_sender @ W_dm + b_dm)            # [E, H]
    dish_agg = jax.ops.segment_sum(msg_d, e_dish, num_segments=N_DISHES)
    dish_updated = jax.nn.relu((dish_agg + dish_initial) @ W_du + b_du)
    dish_emb = dish_updated @ W_dp + b_dp

    return (user_emb, dish_emb)

if __name__ == "__main__":
    import jax
    _d = setup_inputs()
    print(jax.jit(kernel)(*tuple(_d.values())))

</pallas_src>

<mosaic_0001>
#map = affine_map<(d0, d1) -> (0, 0)>
module attributes {stable_mosaic.version = 14 : i64} {
  func.func @k(%arg0: i32, %arg1: i32, %arg2: memref<2560x128xi32, #tpu.memory_space<hbm>>, %arg3: memref<2560x128xi32, #tpu.memory_space<hbm>>, %arg4: memref<2560x128xi32, #tpu.memory_space<hbm>>, %arg5: memref<2560x128xi32, #tpu.memory_space<hbm>>, %arg6: memref<10000x128xf32, #tpu.memory_space<hbm>>, %arg7: memref<10000x128xf32, #tpu.memory_space<hbm>>, %arg8: memref<10112x128xf32, #tpu.memory_space<hbm>>, %arg9: memref<10112x128xf32, #tpu.memory_space<hbm>>, %arg10: memref<16x128xi32, #tpu.memory_space<vmem>>, %arg11: memref<16x128xi32, #tpu.memory_space<vmem>>, %arg12: memref<128x128xf32, #tpu.memory_space<vmem>>, %arg13: memref<128x128xf32, #tpu.memory_space<vmem>>, %arg14: memref<10240x128xf32, #tpu.memory_space<vmem_shared>>, %arg15: memref<!tpu.dma_semaphore, #tpu.memory_space<semaphore_mem>>, %arg16: memref<!tpu.dma_semaphore, #tpu.memory_space<semaphore_mem>>, %arg17: memref<!tpu.dma_semaphore, #tpu.memory_space<semaphore_mem>>, %arg18: memref<!tpu.dma_semaphore, #tpu.memory_space<semaphore_mem>>) attributes {dimension_semantics = [#tpu.dimension_semantics<core_parallel>, #tpu.dimension_semantics<subcore_parallel>], iteration_bounds = array<i64: 2, 16>, scalar_prefetch = 0 : i64, scratch_operands = 9 : i64, tpu.core_type = #tpu.core_type<sc_vector_subcore>, window_params = [{transform_indices = #map}, {transform_indices = #map}, {transform_indices = #map}, {transform_indices = #map}, {transform_indices = #map}, {transform_indices = #map}, {transform_indices = #map}, {transform_indices = #map}]} {
    %broadcast_in_dim3A = arith.constant 0.000000e+00 : f32
    %broadcast_in_dim3A_0 = vector.broadcast %broadcast_in_dim3A : f32 to vector<16xf32>
    %scan3A = arith.constant 0 : i32
    %scan3A_1 = arith.constant 0 : i32
    %scan3A_2 = arith.constant 1024 : i32
    %scan3A_3 = arith.addi %scan3A_1, %scan3A_2 : i32
    %scan3A_4 = arith.constant 1 : i32
    scf.for %scan3A_31 = %scan3A_1 to %scan3A_3 step %scan3A_4  : i32 {
      %jit3A = arith.constant 8 : i32
      %div3A = arith.divsi %scan3A_31, %jit3A : i32
      %sign3A = arith.constant 0 : i32
      %sign3A_32 = arith.cmpi sgt, %scan3A_31, %sign3A : i32
      %sign3A_33 = arith.extui %sign3A_32 : i1 to i32
      %sign3A_34 = arith.constant 0 : i32
      %sign3A_35 = arith.cmpi slt, %scan3A_31, %sign3A_34 : i32
      %sign3A_36 = arith.extui %sign3A_35 : i1 to i32
      %sign3A_37 = arith.subi %sign3A_33, %sign3A_36 : i32
      %sign3A_38 = arith.constant 0 : i32
      %sign3A_39 = arith.cmpi sgt, %jit3A, %sign3A_38 : i32
      %sign3A_40 = arith.extui %sign3A_39 : i1 to i32
      %sign3A_41 = arith.constant 0 : i32
      %sign3A_42 = arith.cmpi slt, %jit3A, %sign3A_41 : i32
      %sign3A_43 = arith.extui %sign3A_42 : i1 to i32
      %sign3A_44 = arith.subi %sign3A_40, %sign3A_43 : i32
      %ne3A = arith.cmpi ne, %sign3A_37, %sign3A_44 : i32
      %rem3A = arith.remsi %scan3A_31, %jit3A : i32
      %ne3A_45 = arith.constant 0 : i32
      %ne3A_46 = arith.cmpi ne, %rem3A, %ne3A_45 : i32
      %and3A = arith.andi %ne3A, %ne3A_46 : i1
      %sub3A = arith.constant 1 : i32
      %sub3A_47 = arith.subi %div3A, %sub3A : i32
      %select_n3A = arith.select %and3A, %sub3A_47, %div3A : i32
      %jit3A_48 = arith.constant 8 : i32
      %eq3A_49 = arith.constant 0 : i32
      %eq3A_50 = arith.cmpi eq, %jit3A_48, %eq3A_49 : i32
      %jit3A_51 = arith.constant 1 : i32
      %select_n3A_52 = arith.select %eq3A_50, %jit3A_51, %jit3A_48 : i32
      %rem3A_53 = arith.remsi %scan3A_31, %select_n3A_52 : i32
      %ne3A_54 = arith.constant 0 : i32
      %ne3A_55 = arith.cmpi ne, %rem3A_53, %ne3A_54 : i32
      %lt3A = arith.constant 0 : i32
      %lt3A_56 = arith.cmpi slt, %rem3A_53, %lt3A : i32
      %lt3A_57 = arith.constant 0 : i32
      %lt3A_58 = arith.cmpi slt, %select_n3A_52, %lt3A_57 : i32
      %ne3A_59 = arith.xori %lt3A_56, %lt3A_58 : i1
      %and3A_60 = arith.andi %ne3A_59, %ne3A_55 : i1
      %add3A_61 = arith.addi %rem3A_53, %select_n3A_52 : i32
      %select_n3A_62 = arith.select %and3A_60, %add3A_61, %rem3A_53 : i32
      %mul3A_63 = arith.constant 16 : i32
      %mul3A_64 = arith.muli %select_n3A_62, %mul3A_63 : i32
      %swap3A = arith.index_cast %select_n3A : i32 to index
      %swap3A_65 = arith.index_cast %mul3A_64 : i32 to index
      %swap3A_66 = tpu.vector_load %arg12[%swap3A, %swap3A_65] {strides = array<i32>} : memref<128x128xf32, #tpu.memory_space<vmem>>, vector<1x16xf32>,
      %swap3A_67 = vector.shape_cast %swap3A_66 : vector<1x16xf32> to vector<16xf32>
      %swap3A_68 = vector.shape_cast %broadcast_in_dim3A_0 : vector<16xf32> to vector<1x16xf32>
      tpu.vector_store %arg12[%swap3A, %swap3A_65], %swap3A_68 {strides = array<i32>} : memref<128x128xf32, #tpu.memory_space<vmem>>, vector<1x16xf32>,
    }
    %scan3A_5 = arith.constant 1024 : i32
    %mul3A = arith.constant 640 : i32
    %mul3A_6 = arith.muli %arg1, %mul3A : i32
    %add3A = arith.constant 0 : i32
    %add3A_7 = arith.addi %mul3A_6, %add3A : i32
    "tpu.region"() ({
      %run_scoped3A = tpu.sem_alloc : memref<!tpu.dma_semaphore, #tpu.memory_space<semaphore_mem>>
      %dma_start3A = arith.constant 0 : i32
      %dma_start3A_31 = tpu.memref_slice %arg14[%add3A_7, %dma_start3A] : memref<10240x128xf32, #tpu.memory_space<vmem_shared>> -> memref<128x128xf32, #tpu.memory_space<vmem_shared>>
      %dma_start3A_32 = arith.constant 0 : i32
      %dma_start3A_33 = tpu.memref_slice %arg14[%add3A_7, %dma_start3A_32] : memref<10240x128xf32, #tpu.memory_space<vmem_shared>> -> memref<128x128xf32, #tpu.memory_space<vmem_shared>>
      tpu.enqueue_dma source(%arg12 : memref<128x128xf32, #tpu.memory_space<vmem>>) target(%dma_start3A_33 : memref<128x128xf32, #tpu.memory_space<vmem_shared>>) target_semaphore(%run_scoped3A : memref<!tpu.dma_semaphore, #tpu.memory_space<semaphore_mem>>)
      %dma_wait3A = arith.constant 0 : i32
      %dma_wait3A_34 = tpu.memref_slice %arg14[%add3A_7, %dma_wait3A] : memref<10240x128xf32, #tpu.memory_space<vmem_shared>> -> memref<128x128xf32, #tpu.memory_space<vmem_shared>>
      %dma_wait3A_35 = arith.constant 0 : i32
      %dma_wait3A_36 = tpu.memref_slice %arg14[%add3A_7, %dma_wait3A_35] : memref<10240x128xf32, #tpu.memory_space<vmem_shared>> -> memref<128x128xf32, #tpu.memory_space<vmem_shared>>
      tpu.wait_dma2 semaphore(%run_scoped3A : memref<!tpu.dma_semaphore, #tpu.memory_space<semaphore_mem>>) src(%arg12 : memref<128x128xf32, #tpu.memory_space<vmem>>) dst(%dma_wait3A_36 : memref<128x128xf32, #tpu.memory_space<vmem_shared>>)
      tpu.yield
    }) : () -> ()
    %mul3A_8 = arith.constant 640 : i32
    %mul3A_9 = arith.muli %arg1, %mul3A_8 : i32
    %add3A_10 = arith.constant 128 : i32
    %add3A_11 = arith.addi %mul3A_9, %add3A_10 : i32
    "tpu.region"() ({
      %run_scoped3A = tpu.sem_alloc : memref<!tpu.dma_semaphore, #tpu.memory_space<semaphore_mem>>
      %dma_start3A = arith.constant 0 : i32
      %dma_start3A_31 = tpu.memref_slice %arg14[%add3A_11, %dma_start3A] : memref<10240x128xf32, #tpu.memory_space<vmem_shared>> -> memref<128x128xf32, #tpu.memory_space<vmem_shared>>
      %dma_start3A_32 = arith.constant 0 : i32
      %dma_start3A_33 = tpu.memref_slice %arg14[%add3A_11, %dma_start3A_32] : memref<10240x128xf32, #tpu.memory_space<vmem_shared>> -> memref<128x128xf32, #tpu.memory_space<vmem_shared>>
      tpu.enqueue_dma source(%arg12 : memref<128x128xf32, #tpu.memory_space<vmem>>) target(%dma_start3A_33 : memref<128x128xf32, #tpu.memory_space<vmem_shared>>) target_semaphore(%run_scoped3A : memref<!tpu.dma_semaphore, #tpu.memory_space<semaphore_mem>>)
      %dma_wait3A = arith.constant 0 : i32
      %dma_wait3A_34 = tpu.memref_slice %arg14[%add3A_11, %dma_wait3A] : memref<10240x128xf32, #tpu.memory_space<vmem_shared>> -> memref<128x128xf32, #tpu.memory_space<vmem_shared>>
      %dma_wait3A_35 = arith.constant 0 : i32
      %dma_wait3A_36 = tpu.memref_slice %arg14[%add3A_11, %dma_wait3A_35] : memref<10240x128xf32, #tpu.memory_space<vmem_shared>> -> memref<128x128xf32, #tpu.memory_space<vmem_shared>>
      tpu.wait_dma2 semaphore(%run_scoped3A : memref<!tpu.dma_semaphore, #tpu.memory_space<semaphore_mem>>) src(%arg12 : memref<128x128xf32, #tpu.memory_space<vmem>>) dst(%dma_wait3A_36 : memref<128x128xf32, #tpu.memory_space<vmem_shared>>)
      tpu.yield
    }) : () -> ()
    %mul3A_12 = arith.constant 640 : i32
    %mul3A_13 = arith.muli %arg1, %mul3A_12 : i32
    %add3A_14 = arith.constant 256 : i32
    %add3A_15 = arith.addi %mul3A_13, %add3A_14 : i32
    "tpu.region"() ({
      %run_scoped3A = tpu.sem_alloc : memref<!tpu.dma_semaphore, #tpu.memory_space<semaphore_mem>>
      %dma_start3A = arith.constant 0 : i32
      %dma_start3A_31 = tpu.memref_slice %arg14[%add3A_15, %dma_start3A] : memref<10240x128xf32, #tpu.memory_space<vmem_shared>> -> memref<128x128xf32, #tpu.memory_space<vmem_shared>>
      %dma_start3A_32 = arith.constant 0 : i32
      %dma_start3A_33 = tpu.memref_slice %arg14[%add3A_15, %dma_start3A_32] : memref<10240x128xf32, #tpu.memory_space<vmem_shared>> -> memref<128x128xf32, #tpu.memory_space<vmem_shared>>
      tpu.enqueue_dma source(%arg12 : memref<128x128xf32, #tpu.memory_space<vmem>>) target(%dma_start3A_33 : memref<128x128xf32, #tpu.memory_space<vmem_shared>>) target_semaphore(%run_scoped3A : memref<!tpu.dma_semaphore, #tpu.memory_space<semaphore_mem>>)
      %dma_wait3A = arith.constant 0 : i32
      %dma_wait3A_34 = tpu.memref_slice %arg14[%add3A_15, %dma_wait3A] : memref<10240x128xf32, #tpu.memory_space<vmem_shared>> -> memref<128x128xf32, #tpu.memory_space<vmem_shared>>
      %dma_wait3A_35 = arith.constant 0 : i32
      %dma_wait3A_36 = tpu.memref_slice %arg14[%add3A_15, %dma_wait3A_35] : memref<10240x128xf32, #tpu.memory_space<vmem_shared>> -> memref<128x128xf32, #tpu.memory_space<vmem_shared>>
      tpu.wait_dma2 semaphore(%run_scoped3A : memref<!tpu.dma_semaphore, #tpu.memory_space<semaphore_mem>>) src(%arg12 : memref<128x128xf32, #tpu.memory_space<vmem>>) dst(%dma_wait3A_36 : memref<128x128xf32, #tpu.memory_space<vmem_shared>>)
      tpu.yield
    }) : () -> ()
    %mul3A_16 = arith.constant 640 : i32
    %mul3A_17 = arith.muli %arg1, %mul3A_16 : i32
    %add3A_18 = arith.constant 384 : i32
    %add3A_19 = arith.addi %mul3A_17, %add3A_18 : i32
    "tpu.region"() ({
      %run_scoped3A = tpu.sem_alloc : memref<!tpu.dma_semaphore, #tpu.memory_space<semaphore_mem>>
      %dma_start3A = arith.constant 0 : i32
      %dma_start3A_31 = tpu.memref_slice %arg14[%add3A_19, %dma_start3A] : memref<10240x128xf32, #tpu.memory_space<vmem_shared>> -> memref<128x128xf32, #tpu.memory_space<vmem_shared>>
      %dma_start3A_32 = arith.constant 0 : i32
      %dma_start3A_33 = tpu.memref_slice %arg14[%add3A_19, %dma_start3A_32] : memref<10240x128xf32, #tpu.memory_space<vmem_shared>> -> memref<128x128xf32, #tpu.memory_space<vmem_shared>>
      tpu.enqueue_dma source(%arg12 : memref<128x128xf32, #tpu.memory_space<vmem>>) target(%dma_start3A_33 : memref<128x128xf32, #tpu.memory_space<vmem_shared>>) target_semaphore(%run_scoped3A : memref<!tpu.dma_semaphore, #tpu.memory_space<semaphore_mem>>)
      %dma_wait3A = arith.constant 0 : i32
      %dma_wait3A_34 = tpu.memref_slice %arg14[%add3A_19, %dma_wait3A] : memref<10240x128xf32, #tpu.memory_space<vmem_shared>> -> memref<128x128xf32, #tpu.memory_space<vmem_shared>>
      %dma_wait3A_35 = arith.constant 0 : i32
      %dma_wait3A_36 = tpu.memref_slice %arg14[%add3A_19, %dma_wait3A_35] : memref<10240x128xf32, #tpu.memory_space<vmem_shared>> -> memref<128x128xf32, #tpu.memory_space<vmem_shared>>
      tpu.wait_dma2 semaphore(%run_scoped3A : memref<!tpu.dma_semaphore, #tpu.memory_space<semaphore_mem>>) src(%arg12 : memref<128x128xf32, #tpu.memory_space<vmem>>) dst(%dma_wait3A_36 : memref<128x128xf32, #tpu.memory_space<vmem_shared>>)
      tpu.yield
    }) : () -> ()
    %mul3A_20 = arith.constant 640 : i32
    %mul3A_21 = arith.muli %arg1, %mul3A_20 : i32
    %add3A_22 = arith.constant 512 : i32
    %add3A_23 = arith.addi %mul3A_21, %add3A_22 : i32
    "tpu.region"() ({
      %run_scoped3A = tpu.sem_alloc : memref<!tpu.dma_semaphore, #tpu.memory_space<semaphore_mem>>
      %dma_start3A = arith.constant 0 : i32
      %dma_start3A_31 = tpu.memref_slice %arg14[%add3A_23, %dma_start3A] : memref<10240x128xf32, #tpu.memory_space<vmem_shared>> -> memref<128x128xf32, #tpu.memory_space<vmem_shared>>
      %dma_start3A_32 = arith.constant 0 : i32
      %dma_start3A_33 = tpu.memref_slice %arg14[%add3A_23, %dma_start3A_32] : memref<10240x128xf32, #tpu.memory_space<vmem_shared>> -> memref<128x128xf32, #tpu.memory_space<vmem_shared>>
      tpu.enqueue_dma source(%arg12 : memref<128x128xf32, #tpu.memory_space<vmem>>) target(%dma_start3A_33 : memref<128x128xf32, #tpu.memory_space<vmem_shared>>) target_semaphore(%run_scoped3A : memref<!tpu.dma_semaphore, #tpu.memory_space<semaphore_mem>>)
      %dma_wait3A = arith.constant 0 : i32
      %dma_wait3A_34 = tpu.memref_slice %arg14[%add3A_23, %dma_wait3A] : memref<10240x128xf32, #tpu.memory_space<vmem_shared>> -> memref<128x128xf32, #tpu.memory_space<vmem_shared>>
      %dma_wait3A_35 = arith.constant 0 : i32
      %dma_wait3A_36 = tpu.memref_slice %arg14[%add3A_23, %dma_wait3A_35] : memref<10240x128xf32, #tpu.memory_space<vmem_shared>> -> memref<128x128xf32, #tpu.memory_space<vmem_shared>>
      tpu.wait_dma2 semaphore(%run_scoped3A : memref<!tpu.dma_semaphore, #tpu.memory_space<semaphore_mem>>) src(%arg12 : memref<128x128xf32, #tpu.memory_space<vmem>>) dst(%dma_wait3A_36 : memref<128x128xf32, #tpu.memory_space<vmem_shared>>)
      tpu.yield
    }) : () -> ()
    %barrier3A = arith.constant 0 : index
    tpu.barrier barrier_id(%barrier3A)
    %eq3A = arith.constant 0 : i32
    %eq3A_24 = arith.cmpi eq, %arg0, %eq3A : i32
    %convert_element_type3A = arith.extui %eq3A_24 : i1 to i32
    %cond3A = arith.constant 0 : i32
    %cond3A_25 = arith.cmpi ne, %convert_element_type3A, %cond3A : i32
    scf.if %cond3A_25 {
      %scan3A_31 = arith.constant 0 : i32
      %scan3A_32 = arith.constant 0 : i32
      %scan3A_33 = arith.constant 10 : i32
      %scan3A_34 = arith.addi %scan3A_32, %scan3A_33 : i32
      %scan3A_35 = arith.constant 1 : i32
      scf.for %scan3A_42 = %scan3A_32 to %scan3A_34 step %scan3A_35  : i32 {
        %mul3A_43 = arith.constant 160 : i32
        %mul3A_44 = arith.muli %arg1, %mul3A_43 : i32
        %mul3A_45 = arith.constant 16 : i32
        %mul3A_46 = arith.muli %scan3A_42, %mul3A_45 : i32
        %add3A_47 = arith.addi %mul3A_44, %mul3A_46 : i32
        "tpu.region"() ({
          %run_scoped3A = tpu.sem_alloc : memref<!tpu.dma_semaphore, #tpu.memory_space<semaphore_mem>>
          %dma_start3A_270 = arith.constant 0 : i32
          %dma_start3A_271 = tpu.memref_slice %arg2[%add3A_47, %dma_start3A_270] : memref<2560x128xi32, #tpu.memory_space<hbm>> -> memref<16x128xi32, #tpu.memory_space<hbm>>
          %dma_start3A_272 = arith.constant 0 : i32
          %dma_start3A_273 = tpu.memref_slice %arg2[%add3A_47, %dma_start3A_272] : memref<2560x128xi32, #tpu.memory_space<hbm>> -> memref<16x128xi32, #tpu.memory_space<hbm>>
          tpu.enqueue_dma source(%dma_start3A_273 : memref<16x128xi32, #tpu.memory_space<hbm>>) target(%arg10 : memref<16x128xi32, #tpu.memory_space<vmem>>) target_semaphore(%run_scoped3A : memref<!tpu.dma_semaphore, #tpu.memory_space<semaphore_mem>>)
          %dma_wait3A_274 = arith.constant 0 : i32
          %dma_wait3A_275 = tpu.memref_slice %arg2[%add3A_47, %dma_wait3A_274] : memref<2560x128xi32, #tpu.memory_space<hbm>> -> memref<16x128xi32, #tpu.memory_space<hbm>>
          %dma_wait3A_276 = arith.constant 0 : i32
          %dma_wait3A_277 = tpu.memref_slice %arg2[%add3A_47, %dma_wait3A_276] : memref<2560x128xi32, #tpu.memory_space<hbm>> -> memref<16x128xi32, #tpu.memory_space<hbm>>
          tpu.wait_dma2 semaphore(%run_scoped3A : memref<!tpu.dma_semaphore, #tpu.memory_space<semaphore_mem>>) src(%dma_wait3A_277 : memref<16x128xi32, #tpu.memory_space<hbm>>) dst(%arg10 : memref<16x128xi32, #tpu.memory_space<vmem>>)
          tpu.yield
        }) : () -> ()
        "tpu.region"() ({
          %run_scoped3A = tpu.sem_alloc : memref<!tpu.dma_semaphore, #tpu.memory_space<semaphore_mem>>
          %dma_start3A_270 = arith.constant 0 : i32
          %dma_start3A_271 = tpu.memref_slice %arg3[%add3A_47, %dma_start3A_270] : memref<2560x128xi32, #tpu.memory_space<hbm>> -> memref<16x128xi32, #tpu.memory_space<hbm>>
          %dma_start3A_272 = arith.constant 0 : i32
          %dma_start3A_273 = tpu.memref_slice %arg3[%add3A_47, %dma_start3A_272] : memref<2560x128xi32, #tpu.memory_space<hbm>> -> memref<16x128xi32, #tpu.memory_space<hbm>>
          tpu.enqueue_dma source(%dma_start3A_273 : memref<16x128xi32, #tpu.memory_space<hbm>>) target(%arg11 : memref<16x128xi32, #tpu.memory_space<vmem>>) target_semaphore(%run_scoped3A : memref<!tpu.dma_semaphore, #tpu.memory_space<semaphore_mem>>)
          %dma_wait3A_274 = arith.constant 0 : i32
          %dma_wait3A_275 = tpu.memref_slice %arg3[%add3A_47, %dma_wait3A_274] : memref<2560x128xi32, #tpu.memory_space<hbm>> -> memref<16x128xi32, #tpu.memory_space<hbm>>
          %dma_wait3A_276 = arith.constant 0 : i32
          %dma_wait3A_277 = tpu.memref_slice %arg3[%add3A_47, %dma_wait3A_276] : memref<2560x128xi32, #tpu.memory_space<hbm>> -> memref<16x128xi32, #tpu.memory_space<hbm>>
          tpu.wait_dma2 semaphore(%run_scoped3A : memref<!tpu.dma_semaphore, #tpu.memory_space<semaphore_mem>>) src(%dma_wait3A_277 : memref<16x128xi32, #tpu.memory_space<hbm>>) dst(%arg11 : memref<16x128xi32, #tpu.memory_space<vmem>>)
          tpu.yield
        }) : () -> ()
        %dma_start3A = arith.constant 0 : i32
        %dma_start3A_48 = arith.constant 0 : i32
        %dma_start3A_49 = tpu.memref_slice %arg10[%dma_start3A, %dma_start3A_48] : memref<16x128xi32, #tpu.memory_space<vmem>> -> memref<1x128xi32, #tpu.memory_space<vmem>>
        %dma_start3A_50 = tpu.memref_squeeze %dma_start3A_49 : memref<1x128xi32, #tpu.memory_space<vmem>> -> memref<128xi32, #tpu.memory_space<vmem>>
        %dma_start3A_51 = arith.constant 0 : i32
        %dma_start3A_52 = arith.constant 0 : i32
        %dma_start3A_53 = tpu.memref_slice %arg6[%dma_start3A_51, %dma_start3A_52] : memref<10000x128xf32, #tpu.memory_space<hbm>> -> memref<10000x128xf32, #tpu.memory_space<hbm>>
        tpu.enqueue_indirect_dma source(%dma_start3A_53 : memref<10000x128xf32, #tpu.memory_space<hbm>>) target(%arg12 : memref<128x128xf32, #tpu.memory_space<vmem>>) offsets(%dma_start3A_50 : memref<128xi32, #tpu.memory_space<vmem>>) semaphore(%arg15 : memref<!tpu.dma_semaphore, #tpu.memory_space<semaphore_mem>>)
        %dma_start3A_54 = arith.constant 1 : i32
        %dma_start3A_55 = arith.constant 0 : i32
        %dma_start3A_56 = tpu.memref_slice %arg10[%dma_start3A_54, %dma_start3A_55] : memref<16x128xi32, #tpu.memory_space<vmem>> -> memref<1x128xi32, #tpu.memory_space<vmem>>
        %dma_start3A_57 = tpu.memref_squeeze %dma_start3A_56 : memref<1x128xi32, #tpu.memory_space<vmem>> -> memref<128xi32, #tpu.memory_space<vmem>>
        %dma_start3A_58 = arith.constant 0 : i32
        %dma_start3A_59 = arith.constant 0 : i32
        %dma_start3A_60 = tpu.memref_slice %arg6[%dma_start3A_58, %dma_start3A_59] : memref<10000x128xf32, #tpu.memory_space<hbm>> -> memref<10000x128xf32, #tpu.memory_space<hbm>>
        tpu.enqueue_indirect_dma source(%dma_start3A_60 : memref<10000x128xf32, #tpu.memory_space<hbm>>) target(%arg13 : memref<128x128xf32, #tpu.memory_space<vmem>>) offsets(%dma_start3A_57 : memref<128xi32, #tpu.memory_space<vmem>>) semaphore(%arg16 : memref<!tpu.dma_semaphore, #tpu.memory_space<semaphore_mem>>)
        %dma_wait3A = arith.constant 0 : i32
        %dma_wait3A_61 = arith.constant 0 : i32
        %dma_wait3A_62 = tpu.memref_slice %arg10[%dma_wait3A, %dma_wait3A_61] : memref<16x128xi32, #tpu.memory_space<vmem>> -> memref<1x128xi32, #tpu.memory_space<vmem>>
        %dma_wait3A_63 = tpu.memref_squeeze %dma_wait3A_62 : memref<1x128xi32, #tpu.memory_space<vmem>> -> memref<128xi32, #tpu.memory_space<vmem>>
        %dma_wait3A_64 = arith.constant 0 : i32
        %dma_wait3A_65 = arith.constant 0 : i32
        %dma_wait3A_66 = tpu.memref_slice %arg6[%dma_wait3A_64, %dma_wait3A_65] : memref<10000x128xf32, #tpu.memory_space<hbm>> -> memref<10000x128xf32, #tpu.memory_space<hbm>>
        tpu.wait_indirect_dma semaphore(%arg15 : memref<!tpu.dma_semaphore, #tpu.memory_space<semaphore_mem>>) src(%dma_wait3A_66 : memref<10000x128xf32, #tpu.memory_space<hbm>>) dst(%arg12 : memref<128x128xf32, #tpu.memory_space<vmem>>)
        %dma_start3A_67 = arith.constant 2 : i32
        %dma_start3A_68 = arith.constant 0 : i32
        %dma_start3A_69 = tpu.memref_slice %arg10[%dma_start3A_67, %dma_start3A_68] : memref<16x128xi32, #tpu.memory_space<vmem>> -> memref<1x128xi32, #tpu.memory_space<vmem>>
        %dma_start3A_70 = tpu.memref_squeeze %dma_start3A_69 : memref<1x128xi32, #tpu.memory_space<vmem>> -> memref<128xi32, #tpu.memory_space<vmem>>
        %dma_start3A_71 = arith.constant 0 : i32
        %dma_start3A_72 = arith.constant 0 : i32
        %dma_start3A_73 = tpu.memref_slice %arg6[%dma_start3A_71, %dma_start3A_72] : memref<10000x128xf32, #tpu.memory_space<hbm>> -> memref<10000x128xf32, #tpu.memory_space<hbm>>
        tpu.enqueue_indirect_dma source(%dma_start3A_73 : memref<10000x128xf32, #tpu.memory_space<hbm>>) target(%arg12 : memref<128x128xf32, #tpu.memory_space<vmem>>) offsets(%dma_start3A_70 : memref<128xi32, #tpu.memory_space<vmem>>) semaphore(%arg15 : memref<!tpu.dma_semaphore, #tpu.memory_space<semaphore_mem>>)
        %dma_wait3A_74 = arith.constant 1 : i32
        %dma_wait3A_75 = arith.constant 0 : i32
        %dma_wait3A_76 = tpu.memref_slice %arg10[%dma_wait3A_74, %dma_wait3A_75] : memref<16x128xi32, #tpu.memory_space<vmem>> -> memref<1x128xi32, #tpu.memory_space<vmem>>
        %dma_wait3A_77 = tpu.memref_squeeze %dma_wait3A_76 : memref<1x128xi32, #tpu.memory_space<vmem>> -> memref<128xi32, #tpu.memory_space<vmem>>
        %dma_wait3A_78 = arith.constant 0 : i32
        %dma_wait3A_79 = arith.constant 0 : i32
        %dma_wait3A_80 = tpu.memref_slice %arg6[%dma_wait3A_78, %dma_wait3A_79] : memref<10000x128xf32, #tpu.memory_space<hbm>> -> memref<10000x128xf32, #tpu.memory_space<hbm>>
        tpu.wait_indirect_dma semaphore(%arg16 : memref<!tpu.dma_semaphore, #tpu.memory_space<semaphore_mem>>) src(%dma_wait3A_80 : memref<10000x128xf32, #tpu.memory_space<hbm>>) dst(%arg13 : memref<128x128xf32, #tpu.memory_space<vmem>>)
        %dma_start3A_81 = arith.constant 3 : i32
        %dma_start3A_82 = arith.constant 0 : i32
        %dma_start3A_83 = tpu.memref_slice %arg10[%dma_start3A_81, %dma_start3A_82] : memref<16x128xi32, #tpu.memory_space<vmem>> -> memref<1x128xi32, #tpu.memory_space<vmem>>
        %dma_start3A_84 = tpu.memref_squeeze %dma_start3A_83 : memref<1x128xi32, #tpu.memory_space<vmem>> -> memref<128xi32, #tpu.memory_space<vmem>>
        %dma_start3A_85 = arith.constant 0 : i32
        %dma_start3A_86 = arith.constant 0 : i32
        %dma_start3A_87 = tpu.memref_slice %arg6[%dma_start3A_85, %dma_start3A_86] : memref<10000x128xf32, #tpu.memory_space<hbm>> -> memref<10000x128xf32, #tpu.memory_space<hbm>>
        tpu.enqueue_indirect_dma source(%dma_start3A_87 : memref<10000x128xf32, #tpu.memory_space<hbm>>) target(%arg13 : memref<128x128xf32, #tpu.memory_space<vmem>>) offsets(%dma_start3A_84 : memref<128xi32, #tpu.memory_space<vmem>>) semaphore(%arg16 : memref<!tpu.dma_semaphore, #tpu.memory_space<semaphore_mem>>)
        %dma_wait3A_88 = arith.constant 2 : i32
        %dma_wait3A_89 = arith.constant 0 : i32
        %dma_wait3A_90 = tpu.memref_slice %arg10[%dma_wait3A_88, %dma_wait3A_89] : memref<16x128xi32, #tpu.memory_space<vmem>> -> memref<1x128xi32, #tpu.memory_space<vmem>>
        %dma_wait3A_91 = tpu.memref_squeeze %dma_wait3A_90 : memref<1x128xi32, #tpu.memory_space<vmem>> -> memref<128xi32, #tpu.memory_space<vmem>>
        %dma_wait3A_92 = arith.constant 0 : i32
        %dma_wait3A_93 = arith.constant 0 : i32
        %dma_wait3A_94 = tpu.memref_slice %arg6[%dma_wait3A_92, %dma_wait3A_93] : memref<10000x128xf32, #tpu.memory_space<hbm>> -> memref<10000x128xf32, #tpu.memory_space<hbm>>
        tpu.wait_indirect_dma semaphore(%arg15 : memref<!tpu.dma_semaphore, #tpu.memory_space<semaphore_mem>>) src(%dma_wait3A_94 : memref<10000x128xf32, #tpu.memory_space<hbm>>) dst(%arg12 : memref<128x128xf32, #tpu.memory_space<vmem>>)
        %dma_start3A_95 = arith.constant 4 : i32
        %dma_start3A_96 = arith.constant 0 : i32
        %dma_start3A_97 = tpu.memref_slice %arg10[%dma_start3A_95, %dma_start3A_96] : memref<16x128xi32, #tpu.memory_space<vmem>> -> memref<1x128xi32, #tpu.memory_space<vmem>>
        %dma_start3A_98 = tpu.memref_squeeze %dma_start3A_97 : memref<1x128xi32, #tpu.memory_space<vmem>> -> memref<128xi32, #tpu.memory_space<vmem>>
        %dma_start3A_99 = arith.constant 0 : i32
        %dma_start3A_100 = arith.constant 0 : i32
        %dma_start3A_101 = tpu.memref_slice %arg6[%dma_start3A_99, %dma_start3A_100] : memref<10000x128xf32, #tpu.memory_space<hbm>> -> memref<10000x128xf32, #tpu.memory_space<hbm>>
        tpu.enqueue_indirect_dma source(%dma_start3A_101 : memref<10000x128xf32, #tpu.memory_space<hbm>>) target(%arg12 : memref<128x128xf32, #tpu.memory_space<vmem>>) offsets(%dma_start3A_98 : memref<128xi32, #tpu.memory_space<vmem>>) semaphore(%arg15 : memref<!tpu.dma_semaphore, #tpu.memory_space<semaphore_mem>>)
        %dma_wait3A_102 = arith.constant 3 : i32
        %dma_wait3A_103 = arith.constant 0 : i32
        %dma_wait3A_104 = tpu.memref_slice %arg10[%dma_wait3A_102, %dma_wait3A_103] : memref<16x128xi32, #tpu.memory_space<vmem>> -> memref<1x128xi32, #tpu.memory_space<vmem>>
        %dma_wait3A_105 = tpu.memref_squeeze %dma_wait3A_104 : memref<1x128xi32, #tpu.memory_space<vmem>> -> memref<128xi32, #tpu.memory_space<vmem>>
        %dma_wait3A_106 = arith.constant 0 : i32
        %dma_wait3A_107 = arith.constant 0 : i32
        %dma_wait3A_108 = tpu.memref_slice %arg6[%dma_wait3A_106, %dma_wait3A_107] : memref<10000x128xf32, #tpu.memory_space<hbm>> -> memref<10000x128xf32, #tpu.memory_space<hbm>>
        tpu.wait_indirect_dma semaphore(%arg16 : memref<!tpu.dma_semaphore, #tpu.memory_space<semaphore_mem>>) src(%dma_wait3A_108 : memref<10000x128xf32, #tpu.memory_space<hbm>>) dst(%arg13 : memref<128x128xf32, #tpu.memory_space<vmem>>)
        %dma_start3A_109 = arith.constant 5 : i32
        %dma_start3A_110 = arith.constant 0 : i32
        %dma_start3A_111 = tpu.memref_slice %arg10[%dma_start3A_109, %dma_start3A_110] : memref<16x128xi32, #tpu.memory_space<vmem>> -> memref<1x128xi32, #tpu.memory_space<vmem>>
        %dma_start3A_112 = tpu.memref_squeeze %dma_start3A_111 : memref<1x128xi32, #tpu.memory_space<vmem>> -> memref<128xi32, #tpu.memory_space<vmem>>
        %dma_start3A_113 = arith.constant 0 : i32
        %dma_start3A_114 = arith.constant 0 : i32
        %dma_start3A_115 = tpu.memref_slice %arg6[%dma_start3A_113, %dma_start3A_114] : memref<10000x128xf32, #tpu.memory_space<hbm>> -> memref<10000x128xf32, #tpu.memory_space<hbm>>
        tpu.enqueue_indirect_dma source(%dma_start3A_115 : memref<10000x128xf32, #tpu.memory_space<hbm>>) target(%arg13 : memref<128x128xf32, #tpu.memory_space<vmem>>) offsets(%dma_start3A_112 : memref<128xi32, #tpu.memory_space<vmem>>) semaphore(%arg16 : memref<!tpu.dma_semaphore, #tpu.memory_space<semaphore_mem>>)
        %dma_wait3A_116 = arith.constant 4 : i32
        %dma_wait3A_117 = arith.constant 0 : i32
        %dma_wait3A_118 = tpu.memref_slice %arg10[%dma_wait3A_116, %dma_wait3A_117] : memref<16x128xi32, #tpu.memory_space<vmem>> -> memref<1x128xi32, #tpu.memory_space<vmem>>
        %dma_wait3A_119 = tpu.memref_squeeze %dma_wait3A_118 : memref<1x128xi32, #tpu.memory_space<vmem>> -> memref<128xi32, #tpu.memory_space<vmem>>
        %dma_wait3A_120 = arith.constant 0 : i32
        %dma_wait3A_121 = arith.constant 0 : i32
        %dma_wait3A_122 = tpu.memref_slice %arg6[%dma_wait3A_120, %dma_wait3A_121] : memref<10000x128xf32, #tpu.memory_space<hbm>> -> memref<10000x128xf32, #tpu.memory_space<hbm>>
        tpu.wait_indirect_dma semaphore(%arg15 : memref<!tpu.dma_semaphore, #tpu.memory_space<semaphore_mem>>) src(%dma_wait3A_122 : memref<10000x128xf32, #tpu.memory_space<hbm>>) dst(%arg12 : memref<128x128xf32, #tpu.memory_space<vmem>>)
        %dma_start3A_123 = arith.constant 6 : i32
        %dma_start3A_124 = arith.constant 0 : i32
        %dma_start3A_125 = tpu.memref_slice %arg10[%dma_start3A_123, %dma_start3A_124] : memref<16x128xi32, #tpu.memory_space<vmem>> -> memref<1x128xi32, #tpu.memory_space<vmem>>
        %dma_start3A_126 = tpu.memref_squeeze %dma_start3A_125 : memref<1x128xi32, #tpu.memory_space<vmem>> -> memref<128xi32, #tpu.memory_space<vmem>>
        %dma_start3A_127 = arith.constant 0 : i32
        %dma_start3A_128 = arith.constant 0 : i32
        %dma_start3A_129 = tpu.memref_slice %arg6[%dma_start3A_127, %dma_start3A_128] : memref<10000x128xf32, #tpu.memory_space<hbm>> -> memref<10000x128xf32, #tpu.memory_space<hbm>>
        tpu.enqueue_indirect_dma source(%dma_start3A_129 : memref<10000x128xf32, #tpu.memory_space<hbm>>) target(%arg12 : memref<128x128xf32, #tpu.memory_space<vmem>>) offsets(%dma_start3A_126 : memref<128xi32, #tpu.memory_space<vmem>>) semaphore(%arg15 : memref<!tpu.dma_semaphore, #tpu.memory_space<semaphore_mem>>)
        %dma_wait3A_130 = arith.constant 5 : i32
        %dma_wait3A_131 = arith.constant 0 : i32
        %dma_wait3A_132 = tpu.memref_slice %arg10[%dma_wait3A_130, %dma_wait3A_131] : memref<16x128xi32, #tpu.memory_space<vmem>> -> memref<1x128xi32, #tpu.memory_space<vmem>>
        %dma_wait3A_133 = tpu.memref_squeeze %dma_wait3A_132 : memref<1x128xi32, #tpu.memory_space<vmem>> -> memref<128xi32, #tpu.memory_space<vmem>>
        %dma_wait3A_134 = arith.constant 0 : i32
        %dma_wait3A_135 = arith.constant 0 : i32
        %dma_wait3A_136 = tpu.memref_slice %arg6[%dma_wait3A_134, %dma_wait3A_135] : memref<10000x128xf32, #tpu.memory_space<hbm>> -> memref<10000x128xf32, #tpu.memory_space<hbm>>
        tpu.wait_indirect_dma semaphore(%arg16 : memref<!tpu.dma_semaphore, #tpu.memory_space<semaphore_mem>>) src(%dma_wait3A_136 : memref<10000x128xf32, #tpu.memory_space<hbm>>) dst(%arg13 : memref<128x128xf32, #tpu.memory_space<vmem>>)
        %dma_start3A_137 = arith.constant 7 : i32
        %dma_start3A_138 = arith.constant 0 : i32
        %dma_start3A_139 = tpu.memref_slice %arg10[%dma_start3A_137, %dma_start3A_138] : memref<16x128xi32, #tpu.memory_space<vmem>> -> memref<1x128xi32, #tpu.memory_space<vmem>>
        %dma_start3A_140 = tpu.memref_squeeze %dma_start3A_139 : memref<1x128xi32, #tpu.memory_space<vmem>> -> memref<128xi32, #tpu.memory_space<vmem>>
        %dma_start3A_141 = arith.constant 0 : i32
        %dma_start3A_142 = arith.constant 0 : i32
        %dma_start3A_143 = tpu.memref_slice %arg6[%dma_start3A_141, %dma_start3A_142] : memref<10000x128xf32, #tpu.memory_space<hbm>> -> memref<10000x128xf32, #tpu.memory_space<hbm>>
        tpu.enqueue_indirect_dma source(%dma_start3A_143 : memref<10000x128xf32, #tpu.memory_space<hbm>>) target(%arg13 : memref<128x128xf32, #tpu.memory_space<vmem>>) offsets(%dma_start3A_140 : memref<128xi32, #tpu.memory_space<vmem>>) semaphore(%arg16 : memref<!tpu.dma_semaphore, #tpu.memory_space<semaphore_mem>>)
        %dma_wait3A_144 = arith.constant 6 : i32
        %dma_wait3A_145 = arith.constant 0 : i32
        %dma_wait3A_146 = tpu.memref_slice %arg10[%dma_wait3A_144, %dma_wait3A_145] : memref<16x128xi32, #tpu.memory_space<vmem>> -> memref<1x128xi32, #tpu.memory_space<vmem>>
        %dma_wait3A_147 = tpu.memref_squeeze %dma_wait3A_146 : memref<1x128xi32, #tpu.memory_space<vmem>> -> memref<128xi32, #tpu.memory_space<vmem>>
        %dma_wait3A_148 = arith.constant 0 : i32
        %dma_wait3A_149 = arith.constant 0 : i32
        %dma_wait3A_150 = tpu.memref_slice %arg6[%dma_wait3A_148, %dma_wait3A_149] : memref<10000x128xf32, #tpu.memory_space<hbm>> -> memref<10000x128xf32, #tpu.memory_space<hbm>>
        tpu.wait_indirect_dma semaphore(%arg15 : memref<!tpu.dma_semaphore, #tpu.memory_space<semaphore_mem>>) src(%dma_wait3A_150 : memref<10000x128xf32, #tpu.memory_space<hbm>>) dst(%arg12 : memref<128x128xf32, #tpu.memory_space<vmem>>)
        %dma_start3A_151 = arith.constant 8 : i32
        %dma_start3A_152 = arith.constant 0 : i32
        %dma_start3A_153 = tpu.memref_slice %arg10[%dma_start3A_151, %dma_start3A_152] : memref<16x128xi32, #tpu.memory_space<vmem>> -> memref<1x128xi32, #tpu.memory_space<vmem>>
        %dma_start3A_154 = tpu.memref_squeeze %dma_start3A_153 : memref<1x128xi32, #tpu.memory_space<vmem>> -> memref<128xi32, #tpu.memory_space<vmem>>
        %dma_start3A_155 = arith.constant 0 : i32
        %dma_start3A_156 = arith.constant 0 : i32
        %dma_start3A_157 = tpu.memref_slice %arg6[%dma_start3A_155, %dma_start3A_156] : memref<10000x128xf32, #tpu.memory_space<hbm>> -> memref<10000x128xf32, #tpu.memory_space<hbm>>
        tpu.enqueue_indirect_dma source(%dma_start3A_157 : memref<10000x128xf32, #tpu.memory_space<hbm>>) target(%arg12 : memref<128x128xf32, #tpu.memory_space<vmem>>) offsets(%dma_start3A_154 : memref<128xi32, #tpu.memory_space<vmem>>) semaphore(%arg15 : memref<!tpu.dma_semaphore, #tpu.memory_space<semaphore_mem>>)
        %dma_wait3A_158 = arith.constant 7 : i32
        %dma_wait3A_159 = arith.constant 0 : i32
        %dma_wait3A_160 = tpu.memref_slice %arg10[%dma_wait3A_158, %dma_wait3A_159] : memref<16x128xi32, #tpu.memory_space<vmem>> -> memref<1x128xi32, #tpu.memory_space<vmem>>
        %dma_wait3A_161 = tpu.memref_squeeze %dma_wait3A_160 : memref<1x128xi32, #tpu.memory_space<vmem>> -> memref<128xi32, #tpu.memory_space<vmem>>
        %dma_wait3A_162 = arith.constant 0 : i32
        %dma_wait3A_163 = arith.constant 0 : i32
        %dma_wait3A_164 = tpu.memref_slice %arg6[%dma_wait3A_162, %dma_wait3A_163] : memref<10000x128xf32, #tpu.memory_space<hbm>> -> memref<10000x128xf32, #tpu.memory_space<hbm>>
        tpu.wait_indirect_dma semaphore(%arg16 : memref<!tpu.dma_semaphore, #tpu.memory_space<semaphore_mem>>) src(%dma_wait3A_164 : memref<10000x128xf32, #tpu.memory_space<hbm>>) dst(%arg13 : memref<128x128xf32, #tpu.memory_space<vmem>>)
        %dma_start3A_165 = arith.constant 9 : i32
        %dma_start3A_166 = arith.constant 0 : i32
        %dma_start3A_167 = tpu.memref_slice %arg10[%dma_start3A_165, %dma_start3A_166] : memref<16x128xi32, #tpu.memory_space<vmem>> -> memref<1x128xi32, #tpu.memory_space<vmem>>
        %dma_start3A_168 = tpu.memref_squeeze %dma_start3A_167 : memref<1x128xi32, #tpu.memory_space<vmem>> -> memref<128xi32, #tpu.memory_space<vmem>>
        %dma_start3A_169 = arith.constant 0 : i32
        %dma_start3A_170 = arith.constant 0 : i32
        %dma_start3A_171 = tpu.memref_slice %arg6[%dma_start3A_169, %dma_start3A_170] : memref<10000x128xf32, #tpu.memory_space<hbm>> -> memref<10000x128xf32, #tpu.memory_space<hbm>>
        tpu.enqueue_indirect_dma source(%dma_start3A_171 : memref<10000x128xf32, #tpu.memory_space<hbm>>) target(%arg13 : memref<128x128xf32, #tpu.memory_space<vmem>>) offsets(%dma_start3A_168 : memref<128xi32, #tpu.memory_space<vmem>>) semaphore(%arg16 : memref<!tpu.dma_semaphore, #tpu.memory_space<semaphore_mem>>)
        %dma_wait3A_172 = arith.constant 8 : i32
        %dma_wait3A_173 = arith.constant 0 : i32
        %dma_wait3A_174 = tpu.memref_slice %arg10[%dma_wait3A_172, %dma_wait3A_173] : memref<16x128xi32, #tpu.memory_space<vmem>> -> memref<1x128xi32, #tpu.memory_space<vmem>>
        %dma_wait3A_175 = tpu.memref_squeeze %dma_wait3A_174 : memref<1x128xi32, #tpu.memory_space<vmem>> -> memref<128xi32, #tpu.memory_space<vmem>>
        %dma_wait3A_176 = arith.constant 0 : i32
        %dma_wait3A_177 = arith.constant 0 : i32
        %dma_wait3A_178 = tpu.memref_slice %arg6[%dma_wait3A_176, %dma_wait3A_177] : memref<10000x128xf32, #tpu.memory_space<hbm>> -> memref<10000x128xf32, #tpu.memory_space<hbm>>
        tpu.wait_indirect_dma semaphore(%arg15 : memref<!tpu.dma_semaphore, #tpu.memory_space<semaphore_mem>>) src(%dma_wait3A_178 : memref<10000x128xf32, #tpu.memory_space<hbm>>) dst(%arg12 : memref<128x128xf32, #tpu.memory_space<vmem>>)
        %dma_start3A_179 = arith.constant 10 : i32
        %dma_start3A_180 = arith.constant 0 : i32
        %dma_start3A_181 = tpu.memref_slice %arg10[%dma_start3A_179, %dma_start3A_180] : memref<16x128xi32, #tpu.memory_space<vmem>> -> memref<1x128xi32, #tpu.memory_space<vmem>>
        %dma_start3A_182 = tpu.memref_squeeze %dma_start3A_181 : memref<1x128xi32, #tpu.memory_space<vmem>> -> memref<128xi32, #tpu.memory_space<vmem>>
        %dma_start3A_183 = arith.constant 0 : i32
        %dma_start3A_184 = arith.constant 0 : i32
        %dma_start3A_185 = tpu.memref_slice %arg6[%dma_start3A_183, %dma_start3A_184] : memref<10000x128xf32, #tpu.memory_space<hbm>> -> memref<10000x128xf32, #tpu.memory_space<hbm>>
        tpu.enqueue_indirect_dma source(%dma_start3A_185 : memref<10000x128xf32, #tpu.memory_space<hbm>>) target(%arg12 : memref<128x128xf32, #tpu.memory_space<vmem>>) offsets(%dma_start3A_182 : memref<128xi32, #tpu.memory_space<vmem>>) semaphore(%arg15 : memref<!tpu.dma_semaphore, #tpu.memory_space<semaphore_mem>>)
        %dma_wait3A_186 = arith.constant 9 : i32
        %dma_wait3A_187 = arith.constant 0 : i32
        %dma_wait3A_188 = tpu.memref_slice %arg10[%dma_wait3A_186, %dma_wait3A_187] : memref<16x128xi32, #tpu.memory_space<vmem>> -> memref<1x128xi32, #tpu.memory_space<vmem>>
        %dma_wait3A_189 = tpu.memref_squeeze %dma_wait3A_188 : memref<1x128xi32, #tpu.memory_space<vmem>> -> memref<128xi32, #tpu.memory_space<vmem>>
        %dma_wait3A_190 = arith.constant 0 : i32
        %dma_wait3A_191 = arith.constant 0 : i32
        %dma_wait3A_192 = tpu.memref_slice %arg6[%dma_wait3A_190, %dma_wait3A_191] : memref<10000x128xf32, #tpu.memory_space<hbm>> -> memref<10000x128xf32, #tpu.memory_space<hbm>>
        tpu.wait_indirect_dma semaphore(%arg16 : memref<!tpu.dma_semaphore, #tpu.memory_space<semaphore_mem>>) src(%dma_wait3A_192 : memref<10000x128xf32, #tpu.memory_space<hbm>>) dst(%arg13 : memref<128x128xf32, #tpu.memory_space<vmem>>)
        %dma_start3A_193 = arith.constant 11 : i32
        %dma_start3A_194 = arith.constant 0 : i32
        %dma_start3A_195 = tpu.memref_slice %arg10[%dma_start3A_193, %dma_start3A_194] : memref<16x128xi32, #tpu.memory_space<vmem>> -> memref<1x128xi32, #tpu.memory_space<vmem>>
        %dma_start3A_196 = tpu.memref_squeeze %dma_start3A_195 : memref<1x128xi32, #tpu.memory_space<vmem>> -> memref<128xi32, #tpu.memory_space<vmem>>
        %dma_start3A_197 = arith.constant 0 : i32
        %dma_start3A_198 = arith.constant 0 : i32
        %dma_start3A_199 = tpu.memref_slice %arg6[%dma_start3A_197, %dma_start3A_198] : memref<10000x128xf32, #tpu.memory_space<hbm>> -> memref<10000x128xf32, #tpu.memory_space<hbm>>
        tpu.enqueue_indirect_dma source(%dma_start3A_199 : memref<10000x128xf32, #tpu.memory_space<hbm>>) target(%arg13 : memref<128x128xf32, #tpu.memory_space<vmem>>) offsets(%dma_start3A_196 : memref<128xi32, #tpu.memory_space<vmem>>) semaphore(%arg16 : memref<!tpu.dma_semaphore, #tpu.memory_space<semaphore_mem>>)
        %dma_wait3A_200 = arith.constant 10 : i32
        %dma_wait3A_201 = arith.constant 0 : i32
        %dma_wait3A_202 = tpu.memref_slice %arg10[%dma_wait3A_200, %dma_wait3A_201] : memref<16x128xi32, #tpu.memory_space<vmem>> -> memref<1x128xi32, #tpu.memory_space<vmem>>
        %dma_wait3A_203 = tpu.memref_squeeze %dma_wait3A_202 : memref<1x128xi32, #tpu.memory_space<vmem>> -> memref<128xi32, #tpu.memory_space<vmem>>
        %dma_wait3A_204 = arith.constant 0 : i32
        %dma_wait3A_205 = arith.constant 0 : i32
        %dma_wait3A_206 = tpu.memref_slice %arg6[%dma_wait3A_204, %dma_wait3A_205] : memref<10000x128xf32, #tpu.memory_space<hbm>> -> memref<10000x128xf32, #tpu.memory_space<hbm>>
        tpu.wait_indirect_dma semaphore(%arg15 : memref<!tpu.dma_semaphore, #tpu.memory_space<semaphore_mem>>) src(%dma_wait3A_206 : memref<10000x128xf32, #tpu.memory_space<hbm>>) dst(%arg12 : memref<128x128xf32, #tpu.memory_space<vmem>>)
        %dma_start3A_207 = arith.constant 12 : i32
        %dma_start3A_208 = arith.constant 0 : i32
        %dma_start3A_209 = tpu.memref_slice %arg10[%dma_start3A_207, %dma_start3A_208] : memref<16x128xi32, #tpu.memory_space<vmem>> -> memref<1x128xi32, #tpu.memory_space<vmem>>
        %dma_start3A_210 = tpu.memref_squeeze %dma_start3A_209 : memref<1x128xi32, #tpu.memory_space<vmem>> -> memref<128xi32, #tpu.memory_space<vmem>>
        %dma_start3A_211 = arith.constant 0 : i32
        %dma_start3A_212 = arith.constant 0 : i32
        %dma_start3A_213 = tpu.memref_slice %arg6[%dma_start3A_211, %dma_start3A_212] : memref<10000x128xf32, #tpu.memory_space<hbm>> -> memref<10000x128xf32, #tpu.memory_space<hbm>>
        tpu.enqueue_indirect_dma source(%dma_start3A_213 : memref<10000x128xf32, #tpu.memory_space<hbm>>) target(%arg12 : memref<128x128xf32, #tpu.memory_space<vmem>>) offsets(%dma_start3A_210 : memref<128xi32, #tpu.memory_space<vmem>>) semaphore(%arg15 : memref<!tpu.dma_semaphore, #tpu.memory_space<semaphore_mem>>)
        %dma_wait3A_214 = arith.constant 11 : i32
        %dma_wait3A_215 = arith.constant 0 : i32
        %dma_wait3A_216 = tpu.memref_slice %arg10[%dma_wait3A_214, %dma_wait3A_215] : memref<16x128xi32, #tpu.memory_space<vmem>> -> memref<1x128xi32, #tpu.memory_space<vmem>>
        %dma_wait3A_217 = tpu.memref_squeeze %dma_wait3A_216 : memref<1x128xi32, #tpu.memory_space<vmem>> -> memref<128xi32, #tpu.memory_space<vmem>>
        %dma_wait3A_218 = arith.constant 0 : i32
        %dma_wait3A_219 = arith.constant 0 : i32
        %dma_wait3A_220 = tpu.memref_slice %arg6[%dma_wait3A_218, %dma_wait3A_219] : memref<10000x128xf32, #tpu.memory_space<hbm>> -> memref<10000x128xf32, #tpu.memory_space<hbm>>
        tpu.wait_indirect_dma semaphore(%arg16 : memref<!tpu.dma_semaphore, #tpu.memory_space<semaphore_mem>>) src(%dma_wait3A_220 : memref<10000x128xf32, #tpu.memory_space<hbm>>) dst(%arg13 : memref<128x128xf32, #tpu.memory_space<vmem>>)
        %dma_start3A_221 = arith.constant 13 : i32
        %dma_start3A_222 = arith.constant 0 : i32
        %dma_start3A_223 = tpu.memref_slice %arg10[%dma_start3A_221, %dma_start3A_222] : memref<16x128xi32, #tpu.memory_space<vmem>> -> memref<1x128xi32, #tpu.memory_space<vmem>>
        %dma_start3A_224 = tpu.memref_squeeze %dma_start3A_223 : memref<1x128xi32, #tpu.memory_space<vmem>> -> memref<128xi32, #tpu.memory_space<vmem>>
        %dma_start3A_225 = arith.constant 0 : i32
        %dma_start3A_226 = arith.constant 0 : i32
        %dma_start3A_227 = tpu.memref_slice %arg6[%dma_start3A_225, %dma_start3A_226] : memref<10000x128xf32, #tpu.memory_space<hbm>> -> memref<10000x128xf32, #tpu.memory_space<hbm>>
        tpu.enqueue_indirect_dma source(%dma_start3A_227 : memref<10000x128xf32, #tpu.memory_space<hbm>>) target(%arg13 : memref<128x128xf32, #tpu.memory_space<vmem>>) offsets(%dma_start3A_224 : memref<128xi32, #tpu.memory_space<vmem>>) semaphore(%arg16 : memref<!tpu.dma_semaphore, #tpu.memory_space<semaphore_mem>>)
        %dma_wait3A_228 = arith.constant 12 : i32
        %dma_wait3A_229 = arith.constant 0 : i32
        %dma_wait3A_230 = tpu.memref_slice %arg10[%dma_wait3A_228, %dma_wait3A_229] : memref<16x128xi32, #tpu.memory_space<vmem>> -> memref<1x128xi32, #tpu.memory_space<vmem>>
        %dma_wait3A_231 = tpu.memref_squeeze %dma_wait3A_230 : memref<1x128xi32, #tpu.memory_space<vmem>> -> memref<128xi32, #tpu.memory_space<vmem>>
        %dma_wait3A_232 = arith.constant 0 : i32
        %dma_wait3A_233 = arith.constant 0 : i32
        %dma_wait3A_234 = tpu.memref_slice %arg6[%dma_wait3A_232, %dma_wait3A_233] : memref<10000x128xf32, #tpu.memory_space<hbm>> -> memref<10000x128xf32, #tpu.memory_space<hbm>>
        tpu.wait_indirect_dma semaphore(%arg15 : memref<!tpu.dma_semaphore, #tpu.memory_space<semaphore_mem>>) src(%dma_wait3A_234 : memref<10000x128xf32, #tpu.memory_space<hbm>>) dst(%arg12 : memref<128x128xf32, #tpu.memory_space<vmem>>)
        %dma_start3A_235 = arith.constant 14 : i32
        %dma_start3A_236 = arith.constant 0 : i32
        %dma_start3A_237 = tpu.memref_slice %arg10[%dma_start3A_235, %dma_start3A_236] : memref<16x128xi32, #tpu.memory_space<vmem>> -> memref<1x128xi32, #tpu.memory_space<vmem>>
        %dma_start3A_238 = tpu.memref_squeeze %dma_start3A_237 : memref<1x128xi32, #tpu.memory_space<vmem>> -> memref<128xi32, #tpu.memory_space<vmem>>
        %dma_start3A_239 = arith.constant 0 : i32
        %dma_start3A_240 = arith.constant 0 : i32
        %dma_start3A_241 = tpu.memref_slice %arg6[%dma_start3A_239, %dma_start3A_240] : memref<10000x128xf32, #tpu.memory_space<hbm>> -> memref<10000x128xf32, #tpu.memory_space<hbm>>
        tpu.enqueue_indirect_dma source(%dma_start3A_241 : memref<10000x128xf32, #tpu.memory_space<hbm>>) target(%arg12 : memref<128x128xf32, #tpu.memory_space<vmem>>) offsets(%dma_start3A_238 : memref<128xi32, #tpu.memory_space<vmem>>) semaphore(%arg15 : memref<!tpu.dma_semaphore, #tpu.memory_space<semaphore_mem>>)
        %dma_wait3A_242 = arith.constant 13 : i32
        %dma_wait3A_243 = arith.constant 0 : i32
        %dma_wait3A_244 = tpu.memref_slice %arg10[%dma_wait3A_242, %dma_wait3A_243] : memref<16x128xi32, #tpu.memory_space<vmem>> -> memref<1x128xi32, #tpu.memory_space<vmem>>
        %dma_wait3A_245 = tpu.memref_squeeze %dma_wait3A_244 : memref<1x128xi32, #tpu.memory_space<vmem>> -> memref<128xi32, #tpu.memory_space<vmem>>
        %dma_wait3A_246 = arith.constant 0 : i32
        %dma_wait3A_247 = arith.constant 0 : i32
        %dma_wait3A_248 = tpu.memref_slice %arg6[%dma_wait3A_246, %dma_wait3A_247] : memref<10000x128xf32, #tpu.memory_space<hbm>> -> memref<10000x128xf32, #tpu.memory_space<hbm>>
        tpu.wait_indirect_dma semaphore(%arg16 : memref<!tpu.dma_semaphore, #tpu.memory_space<semaphore_mem>>) src(%dma_wait3A_248 : memref<10000x128xf32, #tpu.memory_space<hbm>>) dst(%arg13 : memref<128x128xf32, #tpu.memory_space<vmem>>)
        %dma_start3A_249 = arith.constant 15 : i32
        %dma_start3A_250 = arith.constant 0 : i32
        %dma_start3A_251 = tpu.memref_slice %arg10[%dma_start3A_249, %dma_start3A_250] : memref<16x128xi32, #tpu.memory_space<vmem>> -> memref<1x128xi32, #tpu.memory_space<vmem>>
        %dma_start3A_252 = tpu.memref_squeeze %dma_start3A_251 : memref<1x128xi32, #tpu.memory_space<vmem>> -> memref<128xi32, #tpu.memory_space<vmem>>
        %dma_start3A_253 = arith.constant 0 : i32
        %dma_start3A_254 = arith.constant 0 : i32
        %dma_start3A_255 = tpu.memref_slice %arg6[%dma_start3A_253, %dma_start3A_254] : memref<10000x128xf32, #tpu.memory_space<hbm>> -> memref<10000x128xf32, #tpu.memory_space<hbm>>
        tpu.enqueue_indirect_dma source(%dma_start3A_255 : memref<10000x128xf32, #tpu.memory_space<hbm>>) target(%arg13 : memref<128x128xf32, #tpu.memory_space<vmem>>) offsets(%dma_start3A_252 : memref<128xi32, #tpu.memory_space<vmem>>) semaphore(%arg16 : memref<!tpu.dma_semaphore, #tpu.memory_space<semaphore_mem>>)
        %dma_wait3A_256 = arith.constant 14 : i32
        %dma_wait3A_257 = arith.constant 0 : i32
        %dma_wait3A_258 = tpu.memref_slice %arg10[%dma_wait3A_256, %dma_wait3A_257] : memref<16x128xi32, #tpu.memory_space<vmem>> -> memref<1x128xi32, #tpu.memory_space<vmem>>
        %dma_wait3A_259 = tpu.memref_squeeze %dma_wait3A_258 : memref<1x128xi32, #tpu.memory_space<vmem>> -> memref<128xi32, #tpu.memory_space<vmem>>
        %dma_wait3A_260 = arith.constant 0 : i32
        %dma_wait3A_261 = arith.constant 0 : i32
        %dma_wait3A_262 = tpu.memref_slice %arg6[%dma_wait3A_260, %dma_wait3A_261] : memref<10000x128xf32, #tpu.memory_space<hbm>> -> memref<10000x128xf32, #tpu.memory_space<hbm>>
        tpu.wait_indirect_dma semaphore(%arg15 : memref<!tpu.dma_semaphore, #tpu.memory_space<semaphore_mem>>) src(%dma_wait3A_262 : memref<10000x128xf32, #tpu.memory_space<hbm>>) dst(%arg12 : memref<128x128xf32, #tpu.memory_space<vmem>>)
        %dma_wait3A_263 = arith.constant 15 : i32
        %dma_wait3A_264 = arith.constant 0 : i32
        %dma_wait3A_265 = tpu.memref_slice %arg10[%dma_wait3A_263, %dma_wait3A_264] : memref<16x128xi32, #tpu.memory_space<vmem>> -> memref<1x128xi32, #tpu.memory_space<vmem>>
        %dma_wait3A_266 = tpu.memref_squeeze %dma_wait3A_265 : memref<1x128xi32, #tpu.memory_space<vmem>> -> memref<128xi32, #tpu.memory_space<vmem>>
        %dma_wait3A_267 = arith.constant 0 : i32
        %dma_wait3A_268 = arith.constant 0 : i32
        %dma_wait3A_269 = tpu.memref_slice %arg6[%dma_wait3A_267, %dma_wait3A_268] : memref<10000x128xf32, #tpu.memory_space<hbm>> -> memref<10000x128xf32, #tpu.memory_space<hbm>>
        tpu.wait_indirect_dma semaphore(%arg16 : memref<!tpu.dma_semaphore, #tpu.memory_space<semaphore_mem>>) src(%dma_wait3A_269 : memref<10000x128xf32, #tpu.memory_space<hbm>>) dst(%arg13 : memref<128x128xf32, #tpu.memory_space<vmem>>)
      }
      %scan3A_36 = arith.constant 10 : i32
      %barrier3A_37 = arith.constant 0 : index
      tpu.barrier barrier_id(%barrier3A_37)
      %mul3A_38 = arith.constant 632 : i32
      %mul3A_39 = arith.muli %arg1, %mul3A_38 : i32
      %mul3A_40 = arith.constant 632 : i32
      %mul3A_41 = arith.muli %arg1, %mul3A_40 : i32
      "tpu.region"() ({
        %run_scoped3A = tpu.sem_alloc : memref<!tpu.dma_semaphore, #tpu.memory_space<semaphore_mem>>
        %dma_start3A = arith.constant 0 : i32
        %dma_start3A_42 = tpu.memref_slice %arg8[%mul3A_41, %dma_start3A] : memref<10112x128xf32, #tpu.memory_space<hbm>> -> memref<632x128xf32, #tpu.memory_space<hbm>>
        %dma_start3A_43 = arith.constant 0 : i32
        %dma_start3A_44 = tpu.memref_slice %arg14[%mul3A_39, %dma_start3A_43] : memref<10240x128xf32, #tpu.memory_space<vmem_shared>> -> memref<632x128xf32, #tpu.memory_space<vmem_shared>>
        tpu.enqueue_dma source(%dma_start3A_44 : memref<632x128xf32, #tpu.memory_space<vmem_shared>>) target(%dma_start3A_42 : memref<632x128xf32, #tpu.memory_space<hbm>>) target_semaphore(%run_scoped3A : memref<!tpu.dma_semaphore, #tpu.memory_space<semaphore_mem>>)
        %dma_wait3A = arith.constant 0 : i32
        %dma_wait3A_45 = tpu.memref_slice %arg8[%mul3A_41, %dma_wait3A] : memref<10112x128xf32, #tpu.memory_space<hbm>> -> memref<632x128xf32, #tpu.memory_space<hbm>>
        %dma_wait3A_46 = arith.constant 0 : i32
        %dma_wait3A_47 = tpu.memref_slice %arg14[%mul3A_39, %dma_wait3A_46] : memref<10240x128xf32, #tpu.memory_space<vmem_shared>> -> memref<632x128xf32, #tpu.memory_space<vmem_shared>>
        tpu.wait_dma2 semaphore(%run_scoped3A : memref<!tpu.dma_semaphore, #tpu.memory_space<semaphore_mem>>) src(%dma_wait3A_47 : memref<632x128xf32, #tpu.memory_space<vmem_shared>>) dst(%dma_wait3A_45 : memref<632x128xf32, #tpu.memory_space<hbm>>)
        tpu.yield
      }) : () -> ()
    } else {
    }
    %eq3A_26 = arith.constant 1 : i32
    %eq3A_27 = arith.cmpi eq, %arg0, %eq3A_26 : i32
    %convert_element_type3A_28 = arith.extui %eq3A_27 : i1 to i32
    %cond3A_29 = arith.constant 0 : i32
    %cond3A_30 = arith.cmpi ne, %convert_element_type3A_28, %cond3A_29 : i32
    scf.if %cond3A_30 {
      %scan3A_31 = arith.constant 0 : i32
      %scan3A_32 = arith.constant 0 : i32
      %scan3A_33 = arith.constant 10 : i32
      %scan3A_34 = arith.addi %scan3A_32, %scan3A_33 : i32
      %scan3A_35 = arith.constant 1 : i32
      scf.for %scan3A_42 = %scan3A_32 to %scan3A_34 step %scan3A_35  : i32 {
        %mul3A_43 = arith.constant 160 : i32
        %mul3A_44 = arith.muli %arg1, %mul3A_43 : i32
        %mul3A_45 = arith.constant 16 : i32
        %mul3A_46 = arith.muli %scan3A_42, %mul3A_45 : i32
        %add3A_47 = arith.addi %mul3A_44, %mul3A_46 : i32
        "tpu.region"() ({
          %run_scoped3A = tpu.sem_alloc : memref<!tpu.dma_semaphore, #tpu.memory_space<semaphore_mem>>
          %dma_start3A_270 = arith.constant 0 : i32
          %dma_start3A_271 = tpu.memref_slice %arg4[%add3A_47, %dma_start3A_270] : memref<2560x128xi32, #tpu.memory_space<hbm>> -> memref<16x128xi32, #tpu.memory_space<hbm>>
          %dma_start3A_272 = arith.constant 0 : i32
          %dma_start3A_273 = tpu.memref_slice %arg4[%add3A_47, %dma_start3A_272] : memref<2560x128xi32, #tpu.memory_space<hbm>> -> memref<16x128xi32, #tpu.memory_space<hbm>>
          tpu.enqueue_dma source(%dma_start3A_273 : memref<16x128xi32, #tpu.memory_space<hbm>>) target(%arg10 : memref<16x128xi32, #tpu.memory_space<vmem>>) target_semaphore(%run_scoped3A : memref<!tpu.dma_semaphore, #tpu.memory_space<semaphore_mem>>)
          %dma_wait3A_274 = arith.constant 0 : i32
          %dma_wait3A_275 = tpu.memref_slice %arg4[%add3A_47, %dma_wait3A_274] : memref<2560x128xi32, #tpu.memory_space<hbm>> -> memref<16x128xi32, #tpu.memory_space<hbm>>
          %dma_wait3A_276 = arith.constant 0 : i32
          %dma_wait3A_277 = tpu.memref_slice %arg4[%add3A_47, %dma_wait3A_276] : memref<2560x128xi32, #tpu.memory_space<hbm>> -> memref<16x128xi32, #tpu.memory_space<hbm>>
          tpu.wait_dma2 semaphore(%run_scoped3A : memref<!tpu.dma_semaphore, #tpu.memory_space<semaphore_mem>>) src(%dma_wait3A_277 : memref<16x128xi32, #tpu.memory_space<hbm>>) dst(%arg10 : memref<16x128xi32, #tpu.memory_space<vmem>>)
          tpu.yield
        }) : () -> ()
        "tpu.region"() ({
          %run_scoped3A = tpu.sem_alloc : memref<!tpu.dma_semaphore, #tpu.memory_space<semaphore_mem>>
          %dma_start3A_270 = arith.constant 0 : i32
          %dma_start3A_271 = tpu.memref_slice %arg5[%add3A_47, %dma_start3A_270] : memref<2560x128xi32, #tpu.memory_space<hbm>> -> memref<16x128xi32, #tpu.memory_space<hbm>>
          %dma_start3A_272 = arith.constant 0 : i32
          %dma_start3A_273 = tpu.memref_slice %arg5[%add3A_47, %dma_start3A_272] : memref<2560x128xi32, #tpu.memory_space<hbm>> -> memref<16x128xi32, #tpu.memory_space<hbm>>
          tpu.enqueue_dma source(%dma_start3A_273 : memref<16x128xi32, #tpu.memory_space<hbm>>) target(%arg11 : memref<16x128xi32, #tpu.memory_space<vmem>>) target_semaphore(%run_scoped3A : memref<!tpu.dma_semaphore, #tpu.memory_space<semaphore_mem>>)
          %dma_wait3A_274 = arith.constant 0 : i32
          %dma_wait3A_275 = tpu.memref_slice %arg5[%add3A_47, %dma_wait3A_274] : memref<2560x128xi32, #tpu.memory_space<hbm>> -> memref<16x128xi32, #tpu.memory_space<hbm>>
          %dma_wait3A_276 = arith.constant 0 : i32
          %dma_wait3A_277 = tpu.memref_slice %arg5[%add3A_47, %dma_wait3A_276] : memref<2560x128xi32, #tpu.memory_space<hbm>> -> memref<16x128xi32, #tpu.memory_space<hbm>>
          tpu.wait_dma2 semaphore(%run_scoped3A : memref<!tpu.dma_semaphore, #tpu.memory_space<semaphore_mem>>) src(%dma_wait3A_277 : memref<16x128xi32, #tpu.memory_space<hbm>>) dst(%arg11 : memref<16x128xi32, #tpu.memory_space<vmem>>)
          tpu.yield
        }) : () -> ()
        %dma_start3A = arith.constant 0 : i32
        %dma_start3A_48 = arith.constant 0 : i32
        %dma_start3A_49 = tpu.memref_slice %arg10[%dma_start3A, %dma_start3A_48] : memref<16x128xi32, #tpu.memory_space<vmem>> -> memref<1x128xi32, #tpu.memory_space<vmem>>
        %dma_start3A_50 = tpu.memref_squeeze %dma_start3A_49 : memref<1x128xi32, #tpu.memory_space<vmem>> -> memref<128xi32, #tpu.memory_space<vmem>>
        %dma_start3A_51 = arith.constant 0 : i32
        %dma_start3A_52 = arith.constant 0 : i32
        %dma_start3A_53 = tpu.memref_slice %arg7[%dma_start3A_51, %dma_start3A_52] : memref<10000x128xf32, #tpu.memory_space<hbm>> -> memref<10000x128xf32, #tpu.memory_space<hbm>>
        tpu.enqueue_indirect_dma source(%dma_start3A_53 : memref<10000x128xf32, #tpu.memory_space<hbm>>) target(%arg12 : memref<128x128xf32, #tpu.memory_space<vmem>>) offsets(%dma_start3A_50 : memref<128xi32, #tpu.memory_space<vmem>>) semaphore(%arg15 : memref<!tpu.dma_semaphore, #tpu.memory_space<semaphore_mem>>)
        %dma_start3A_54 = arith.constant 1 : i32
        %dma_start3A_55 = arith.constant 0 : i32
        %dma_start3A_56 = tpu.memref_slice %arg10[%dma_start3A_54, %dma_start3A_55] : memref<16x128xi32, #tpu.memory_space<vmem>> -> memref<1x128xi32, #tpu.memory_space<vmem>>
        %dma_start3A_57 = tpu.memref_squeeze %dma_start3A_56 : memref<1x128xi32, #tpu.memory_space<vmem>> -> memref<128xi32, #tpu.memory_space<vmem>>
        %dma_start3A_58 = arith.constant 0 : i32
        %dma_start3A_59 = arith.constant 0 : i32
        %dma_start3A_60 = tpu.memref_slice %arg7[%dma_start3A_58, %dma_start3A_59] : memref<10000x128xf32, #tpu.memory_space<hbm>> -> memref<10000x128xf32, #tpu.memory_space<hbm>>
        tpu.enqueue_indirect_dma source(%dma_start3A_60 : memref<10000x128xf32, #tpu.memory_space<hbm>>) target(%arg13 : memref<128x128xf32, #tpu.memory_space<vmem>>) offsets(%dma_start3A_57 : memref<128xi32, #tpu.memory_space<vmem>>) semaphore(%arg16 : memref<!tpu.dma_semaphore, #tpu.memory_space<semaphore_mem>>)
        %dma_wait3A = arith.constant 0 : i32
        %dma_wait3A_61 = arith.constant 0 : i32
        %dma_wait3A_62 = tpu.memref_slice %arg10[%dma_wait3A, %dma_wait3A_61] : memref<16x128xi32, #tpu.memory_space<vmem>> -> memref<1x128xi32, #tpu.memory_space<vmem>>
        %dma_wait3A_63 = tpu.memref_squeeze %dma_wait3A_62 : memref<1x128xi32, #tpu.memory_space<vmem>> -> memref<128xi32, #tpu.memory_space<vmem>>
        %dma_wait3A_64 = arith.constant 0 : i32
        %dma_wait3A_65 = arith.constant 0 : i32
        %dma_wait3A_66 = tpu.memref_slice %arg7[%dma_wait3A_64, %dma_wait3A_65] : memref<10000x128xf32, #tpu.memory_space<hbm>> -> memref<10000x128xf32, #tpu.memory_space<hbm>>
        tpu.wait_indirect_dma semaphore(%arg15 : memref<!tpu.dma_semaphore, #tpu.memory_space<semaphore_mem>>) src(%dma_wait3A_66 : memref<10000x128xf32, #tpu.memory_space<hbm>>) dst(%arg12 : memref<128x128xf32, #tpu.memory_space<vmem>>)
        %dma_start3A_67 = arith.constant 2 : i32
        %dma_start3A_68 = arith.constant 0 : i32
        %dma_start3A_69 = tpu.memref_slice %arg10[%dma_start3A_67, %dma_start3A_68] : memref<16x128xi32, #tpu.memory_space<vmem>> -> memref<1x128xi32, #tpu.memory_space<vmem>>
        %dma_start3A_70 = tpu.memref_squeeze %dma_start3A_69 : memref<1x128xi32, #tpu.memory_space<vmem>> -> memref<128xi32, #tpu.memory_space<vmem>>
        %dma_start3A_71 = arith.constant 0 : i32
        %dma_start3A_72 = arith.constant 0 : i32
        %dma_start3A_73 = tpu.memref_slice %arg7[%dma_start3A_71, %dma_start3A_72] : memref<10000x128xf32, #tpu.memory_space<hbm>> -> memref<10000x128xf32, #tpu.memory_space<hbm>>
        tpu.enqueue_indirect_dma source(%dma_start3A_73 : memref<10000x128xf32, #tpu.memory_space<hbm>>) target(%arg12 : memref<128x128xf32, #tpu.memory_space<vmem>>) offsets(%dma_start3A_70 : memref<128xi32, #tpu.memory_space<vmem>>) semaphore(%arg15 : memref<!tpu.dma_semaphore, #tpu.memory_space<semaphore_mem>>)
        %dma_wait3A_74 = arith.constant 1 : i32
        %dma_wait3A_75 = arith.constant 0 : i32
        %dma_wait3A_76 = tpu.memref_slice %arg10[%dma_wait3A_74, %dma_wait3A_75] : memref<16x128xi32, #tpu.memory_space<vmem>> -> memref<1x128xi32, #tpu.memory_space<vmem>>
        %dma_wait3A_77 = tpu.memref_squeeze %dma_wait3A_76 : memref<1x128xi32, #tpu.memory_space<vmem>> -> memref<128xi32, #tpu.memory_space<vmem>>
        %dma_wait3A_78 = arith.constant 0 : i32
        %dma_wait3A_79 = arith.constant 0 : i32
        %dma_wait3A_80 = tpu.memref_slice %arg7[%dma_wait3A_78, %dma_wait3A_79] : memref<10000x128xf32, #tpu.memory_space<hbm>> -> memref<10000x128xf32, #tpu.memory_space<hbm>>
        tpu.wait_indirect_dma semaphore(%arg16 : memref<!tpu.dma_semaphore, #tpu.memory_space<semaphore_mem>>) src(%dma_wait3A_80 : memref<10000x128xf32, #tpu.memory_space<hbm>>) dst(%arg13 : memref<128x128xf32, #tpu.memory_space<vmem>>)
        %dma_start3A_81 = arith.constant 3 : i32
        %dma_start3A_82 = arith.constant 0 : i32
        %dma_start3A_83 = tpu.memref_slice %arg10[%dma_start3A_81, %dma_start3A_82] : memref<16x128xi32, #tpu.memory_space<vmem>> -> memref<1x128xi32, #tpu.memory_space<vmem>>
        %dma_start3A_84 = tpu.memref_squeeze %dma_start3A_83 : memref<1x128xi32, #tpu.memory_space<vmem>> -> memref<128xi32, #tpu.memory_space<vmem>>
        %dma_start3A_85 = arith.constant 0 : i32
        %dma_start3A_86 = arith.constant 0 : i32
        %dma_start3A_87 = tpu.memref_slice %arg7[%dma_start3A_85, %dma_start3A_86] : memref<10000x128xf32, #tpu.memory_space<hbm>> -> memref<10000x128xf32, #tpu.memory_space<hbm>>
        tpu.enqueue_indirect_dma source(%dma_start3A_87 : memref<10000x128xf32, #tpu.memory_space<hbm>>) target(%arg13 : memref<128x128xf32, #tpu.memory_space<vmem>>) offsets(%dma_start3A_84 : memref<128xi32, #tpu.memory_space<vmem>>) semaphore(%arg16 : memref<!tpu.dma_semaphore, #tpu.memory_space<semaphore_mem>>)
        %dma_wait3A_88 = arith.constant 2 : i32
        %dma_wait3A_89 = arith.constant 0 : i32
        %dma_wait3A_90 = tpu.memref_slice %arg10[%dma_wait3A_88, %dma_wait3A_89] : memref<16x128xi32, #tpu.memory_space<vmem>> -> memref<1x128xi32, #tpu.memory_space<vmem>>
        %dma_wait3A_91 = tpu.memref_squeeze %dma_wait3A_90 : memref<1x128xi32, #tpu.memory_space<vmem>> -> memref<128xi32, #tpu.memory_space<vmem>>
        %dma_wait3A_92 = arith.constant 0 : i32
        %dma_wait3A_93 = arith.constant 0 : i32
        %dma_wait3A_94 = tpu.memref_slice %arg7[%dma_wait3A_92, %dma_wait3A_93] : memref<10000x128xf32, #tpu.memory_space<hbm>> -> memref<10000x128xf32, #tpu.memory_space<hbm>>
        tpu.wait_indirect_dma semaphore(%arg15 : memref<!tpu.dma_semaphore, #tpu.memory_space<semaphore_mem>>) src(%dma_wait3A_94 : memref<10000x128xf32, #tpu.memory_space<hbm>>) dst(%arg12 : memref<128x128xf32, #tpu.memory_space<vmem>>)
        %dma_start3A_95 = arith.constant 4 : i32
        %dma_start3A_96 = arith.constant 0 : i32
        %dma_start3A_97 = tpu.memref_slice %arg10[%dma_start3A_95, %dma_start3A_96] : memref<16x128xi32, #tpu.memory_space<vmem>> -> memref<1x128xi32, #tpu.memory_space<vmem>>
        %dma_start3A_98 = tpu.memref_squeeze %dma_start3A_97 : memref<1x128xi32, #tpu.memory_space<vmem>> -> memref<128xi32, #tpu.memory_space<vmem>>
        %dma_start3A_99 = arith.constant 0 : i32
        %dma_start3A_100 = arith.constant 0 : i32
        %dma_start3A_101 = tpu.memref_slice %arg7[%dma_start3A_99, %dma_start3A_100] : memref<10000x128xf32, #tpu.memory_space<hbm>> -> memref<10000x128xf32, #tpu.memory_space<hbm>>
        tpu.enqueue_indirect_dma source(%dma_start3A_101 : memref<10000x128xf32, #tpu.memory_space<hbm>>) target(%arg12 : memref<128x128xf32, #tpu.memory_space<vmem>>) offsets(%dma_start3A_98 : memref<128xi32, #tpu.memory_space<vmem>>) semaphore(%arg15 : memref<!tpu.dma_semaphore, #tpu.memory_space<semaphore_mem>>)
        %dma_wait3A_102 = arith.constant 3 : i32
        %dma_wait3A_103 = arith.constant 0 : i32
        %dma_wait3A_104 = tpu.memref_slice %arg10[%dma_wait3A_102, %dma_wait3A_103] : memref<16x128xi32, #tpu.memory_space<vmem>> -> memref<1x128xi32, #tpu.memory_space<vmem>>
        %dma_wait3A_105 = tpu.memref_squeeze %dma_wait3A_104 : memref<1x128xi32, #tpu.memory_space<vmem>> -> memref<128xi32, #tpu.memory_space<vmem>>
        %dma_wait3A_106 = arith.constant 0 : i32
        %dma_wait3A_107 = arith.constant 0 : i32
        %dma_wait3A_108 = tpu.memref_slice %arg7[%dma_wait3A_106, %dma_wait3A_107] : memref<10000x128xf32, #tpu.memory_space<hbm>> -> memref<10000x128xf32, #tpu.memory_space<hbm>>
        tpu.wait_indirect_dma semaphore(%arg16 : memref<!tpu.dma_semaphore, #tpu.memory_space<semaphore_mem>>) src(%dma_wait3A_108 : memref<10000x128xf32, #tpu.memory_space<hbm>>) dst(%arg13 : memref<128x128xf32, #tpu.memory_space<vmem>>)
        %dma_start3A_109 = arith.constant 5 : i32
        %dma_start3A_110 = arith.constant 0 : i32
        %dma_start3A_111 = tpu.memref_slice %arg10[%dma_start3A_109, %dma_start3A_110] : memref<16x128xi32, #tpu.memory_space<vmem>> -> memref<1x128xi32, #tpu.memory_space<vmem>>
        %dma_start3A_112 = tpu.memref_squeeze %dma_start3A_111 : memref<1x128xi32, #tpu.memory_space<vmem>> -> memref<128xi32, #tpu.memory_space<vmem>>
        %dma_start3A_113 = arith.constant 0 : i32
        %dma_start3A_114 = arith.constant 0 : i32
        %dma_start3A_115 = tpu.memref_slice %arg7[%dma_start3A_113, %dma_start3A_114] : memref<10000x128xf32, #tpu.memory_space<hbm>> -> memref<10000x128xf32, #tpu.memory_space<hbm>>
        tpu.enqueue_indirect_dma source(%dma_start3A_115 : memref<10000x128xf32, #tpu.memory_space<hbm>>) target(%arg13 : memref<128x128xf32, #tpu.memory_space<vmem>>) offsets(%dma_start3A_112 : memref<128xi32, #tpu.memory_space<vmem>>) semaphore(%arg16 : memref<!tpu.dma_semaphore, #tpu.memory_space<semaphore_mem>>)
        %dma_wait3A_116 = arith.constant 4 : i32
        %dma_wait3A_117 = arith.constant 0 : i32
        %dma_wait3A_118 = tpu.memref_slice %arg10[%dma_wait3A_116, %dma_wait3A_117] : memref<16x128xi32, #tpu.memory_space<vmem>> -> memref<1x128xi32, #tpu.memory_space<vmem>>
        %dma_wait3A_119 = tpu.memref_squeeze %dma_wait3A_118 : memref<1x128xi32, #tpu.memory_space<vmem>> -> memref<128xi32, #tpu.memory_space<vmem>>
        %dma_wait3A_120 = arith.constant 0 : i32
        %dma_wait3A_121 = arith.constant 0 : i32
        %dma_wait3A_122 = tpu.memref_slice %arg7[%dma_wait3A_120, %dma_wait3A_121] : memref<10000x128xf32, #tpu.memory_space<hbm>> -> memref<10000x128xf32, #tpu.memory_space<hbm>>
        tpu.wait_indirect_dma semaphore(%arg15 : memref<!tpu.dma_semaphore, #tpu.memory_space<semaphore_mem>>) src(%dma_wait3A_122 : memref<10000x128xf32, #tpu.memory_space<hbm>>) dst(%arg12 : memref<128x128xf32, #tpu.memory_space<vmem>>)
        %dma_start3A_123 = arith.constant 6 : i32
        %dma_start3A_124 = arith.constant 0 : i32
        %dma_start3A_125 = tpu.memref_slice %arg10[%dma_start3A_123, %dma_start3A_124] : memref<16x128xi32, #tpu.memory_space<vmem>> -> memref<1x128xi32, #tpu.memory_space<vmem>>
        %dma_start3A_126 = tpu.memref_squeeze %dma_start3A_125 : memref<1x128xi32, #tpu.memory_space<vmem>> -> memref<128xi32, #tpu.memory_space<vmem>>
        %dma_start3A_127 = arith.constant 0 : i32
        %dma_start3A_128 = arith.constant 0 : i32
        %dma_start3A_129 = tpu.memref_slice %arg7[%dma_start3A_127, %dma_start3A_128] : memref<10000x128xf32, #tpu.memory_space<hbm>> -> memref<10000x128xf32, #tpu.memory_space<hbm>>
        tpu.enqueue_indirect_dma source(%dma_start3A_129 : memref<10000x128xf32, #tpu.memory_space<hbm>>) target(%arg12 : memref<128x128xf32, #tpu.memory_space<vmem>>) offsets(%dma_start3A_126 : memref<128xi32, #tpu.memory_space<vmem>>) semaphore(%arg15 : memref<!tpu.dma_semaphore, #tpu.memory_space<semaphore_mem>>)
        %dma_wait3A_130 = arith.constant 5 : i32
        %dma_wait3A_131 = arith.constant 0 : i32
        %dma_wait3A_132 = tpu.memref_slice %arg10[%dma_wait3A_130, %dma_wait3A_131] : memref<16x128xi32, #tpu.memory_space<vmem>> -> memref<1x128xi32, #tpu.memory_space<vmem>>
        %dma_wait3A_133 = tpu.memref_squeeze %dma_wait3A_132 : memref<1x128xi32, #tpu.memory_space<vmem>> -> memref<128xi32, #tpu.memory_space<vmem>>
        %dma_wait3A_134 = arith.constant 0 : i32
        %dma_wait3A_135 = arith.constant 0 : i32
        %dma_wait3A_136 = tpu.memref_slice %arg7[%dma_wait3A_134, %dma_wait3A_135] : memref<10000x128xf32, #tpu.memory_space<hbm>> -> memref<10000x128xf32, #tpu.memory_space<hbm>>
        tpu.wait_indirect_dma semaphore(%arg16 : memref<!tpu.dma_semaphore, #tpu.memory_space<semaphore_mem>>) src(%dma_wait3A_136 : memref<10000x128xf32, #tpu.memory_space<hbm>>) dst(%arg13 : memref<128x128xf32, #tpu.memory_space<vmem>>)
        %dma_start3A_137 = arith.constant 7 : i32
        %dma_start3A_138 = arith.constant 0 : i32
        %dma_start3A_139 = tpu.memref_slice %arg10[%dma_start3A_137, %dma_start3A_138] : memref<16x128xi32, #tpu.memory_space<vmem>> -> memref<1x128xi32, #tpu.memory_space<vmem>>
        %dma_start3A_140 = tpu.memref_squeeze %dma_start3A_139 : memref<1x128xi32, #tpu.memory_space<vmem>> -> memref<128xi32, #tpu.memory_space<vmem>>
        %dma_start3A_141 = arith.constant 0 : i32
        %dma_start3A_142 = arith.constant 0 : i32
        %dma_start3A_143 = tpu.memref_slice %arg7[%dma_start3A_141, %dma_start3A_142] : memref<10000x128xf32, #tpu.memory_space<hbm>> -> memref<10000x128xf32, #tpu.memory_space<hbm>>
        tpu.enqueue_indirect_dma source(%dma_start3A_143 : memref<10000x128xf32, #tpu.memory_space<hbm>>) target(%arg13 : memref<128x128xf32, #tpu.memory_space<vmem>>) offsets(%dma_start3A_140 : memref<128xi32, #tpu.memory_space<vmem>>) semaphore(%arg16 : memref<!tpu.dma_semaphore, #tpu.memory_space<semaphore_mem>>)
        %dma_wait3A_144 = arith.constant 6 : i32
        %dma_wait3A_145 = arith.constant 0 : i32
        %dma_wait3A_146 = tpu.memref_slice %arg10[%dma_wait3A_144, %dma_wait3A_145] : memref<16x128xi32, #tpu.memory_space<vmem>> -> memref<1x128xi32, #tpu.memory_space<vmem>>
        %dma_wait3A_147 = tpu.memref_squeeze %dma_wait3A_146 : memref<1x128xi32, #tpu.memory_space<vmem>> -> memref<128xi32, #tpu.memory_space<vmem>>
        %dma_wait3A_148 = arith.constant 0 : i32
        %dma_wait3A_149 = arith.constant 0 : i32
        %dma_wait3A_150 = tpu.memref_slice %arg7[%dma_wait3A_148, %dma_wait3A_149] : memref<10000x128xf32, #tpu.memory_space<hbm>> -> memref<10000x128xf32, #tpu.memory_space<hbm>>
        tpu.wait_indirect_dma semaphore(%arg15 : memref<!tpu.dma_semaphore, #tpu.memory_space<semaphore_mem>>) src(%dma_wait3A_150 : memref<10000x128xf32, #tpu.memory_space<hbm>>) dst(%arg12 : memref<128x128xf32, #tpu.memory_space<vmem>>)
        %dma_start3A_151 = arith.constant 8 : i32
        %dma_start3A_152 = arith.constant 0 : i32
        %dma_start3A_153 = tpu.memref_slice %arg10[%dma_start3A_151, %dma_start3A_152] : memref<16x128xi32, #tpu.memory_space<vmem>> -> memref<1x128xi32, #tpu.memory_space<vmem>>
        %dma_start3A_154 = tpu.memref_squeeze %dma_start3A_153 : memref<1x128xi32, #tpu.memory_space<vmem>> -> memref<128xi32, #tpu.memory_space<vmem>>
        %dma_start3A_155 = arith.constant 0 : i32
        %dma_start3A_156 = arith.constant 0 : i32
        %dma_start3A_157 = tpu.memref_slice %arg7[%dma_start3A_155, %dma_start3A_156] : memref<10000x128xf32, #tpu.memory_space<hbm>> -> memref<10000x128xf32, #tpu.memory_space<hbm>>
        tpu.enqueue_indirect_dma source(%dma_start3A_157 : memref<10000x128xf32, #tpu.memory_space<hbm>>) target(%arg12 : memref<128x128xf32, #tpu.memory_space<vmem>>) offsets(%dma_start3A_154 : memref<128xi32, #tpu.memory_space<vmem>>) semaphore(%arg15 : memref<!tpu.dma_semaphore, #tpu.memory_space<semaphore_mem>>)
        %dma_wait3A_158 = arith.constant 7 : i32
        %dma_wait3A_159 = arith.constant 0 : i32
        %dma_wait3A_160 = tpu.memref_slice %arg10[%dma_wait3A_158, %dma_wait3A_159] : memref<16x128xi32, #tpu.memory_space<vmem>> -> memref<1x128xi32, #tpu.memory_space<vmem>>
        %dma_wait3A_161 = tpu.memref_squeeze %dma_wait3A_160 : memref<1x128xi32, #tpu.memory_space<vmem>> -> memref<128xi32, #tpu.memory_space<vmem>>
        %dma_wait3A_162 = arith.constant 0 : i32
        %dma_wait3A_163 = arith.constant 0 : i32
        %dma_wait3A_164 = tpu.memref_slice %arg7[%dma_wait3A_162, %dma_wait3A_163] : memref<10000x128xf32, #tpu.memory_space<hbm>> -> memref<10000x128xf32, #tpu.memory_space<hbm>>
        tpu.wait_indirect_dma semaphore(%arg16 : memref<!tpu.dma_semaphore, #tpu.memory_space<semaphore_mem>>) src(%dma_wait3A_164 : memref<10000x128xf32, #tpu.memory_space<hbm>>) dst(%arg13 : memref<128x128xf32, #tpu.memory_space<vmem>>)
        %dma_start3A_165 = arith.constant 9 : i32
        %dma_start3A_166 = arith.constant 0 : i32
        %dma_start3A_167 = tpu.memref_slice %arg10[%dma_start3A_165, %dma_start3A_166] : memref<16x128xi32, #tpu.memory_space<vmem>> -> memref<1x128xi32, #tpu.memory_space<vmem>>
        %dma_start3A_168 = tpu.memref_squeeze %dma_start3A_167 : memref<1x128xi32, #tpu.memory_space<vmem>> -> memref<128xi32, #tpu.memory_space<vmem>>
        %dma_start3A_169 = arith.constant 0 : i32
        %dma_start3A_170 = arith.constant 0 : i32
        %dma_start3A_171 = tpu.memref_slice %arg7[%dma_start3A_169, %dma_start3A_170] : memref<10000x128xf32, #tpu.memory_space<hbm>> -> memref<10000x128xf32, #tpu.memory_space<hbm>>
        tpu.enqueue_indirect_dma source(%dma_start3A_171 : memref<10000x128xf32, #tpu.memory_space<hbm>>) target(%arg13 : memref<128x128xf32, #tpu.memory_space<vmem>>) offsets(%dma_start3A_168 : memref<128xi32, #tpu.memory_space<vmem>>) semaphore(%arg16 : memref<!tpu.dma_semaphore, #tpu.memory_space<semaphore_mem>>)
        %dma_wait3A_172 = arith.constant 8 : i32
        %dma_wait3A_173 = arith.constant 0 : i32
        %dma_wait3A_174 = tpu.memref_slice %arg10[%dma_wait3A_172, %dma_wait3A_173] : memref<16x128xi32, #tpu.memory_space<vmem>> -> memref<1x128xi32, #tpu.memory_space<vmem>>
        %dma_wait3A_175 = tpu.memref_squeeze %dma_wait3A_174 : memref<1x128xi32, #tpu.memory_space<vmem>> -> memref<128xi32, #tpu.memory_space<vmem>>
        %dma_wait3A_176 = arith.constant 0 : i32
        %dma_wait3A_177 = arith.constant 0 : i32
        %dma_wait3A_178 = tpu.memref_slice %arg7[%dma_wait3A_176, %dma_wait3A_177] : memref<10000x128xf32, #tpu.memory_space<hbm>> -> memref<10000x128xf32, #tpu.memory_space<hbm>>
        tpu.wait_indirect_dma semaphore(%arg15 : memref<!tpu.dma_semaphore, #tpu.memory_space<semaphore_mem>>) src(%dma_wait3A_178 : memref<10000x128xf32, #tpu.memory_space<hbm>>) dst(%arg12 : memref<128x128xf32, #tpu.memory_space<vmem>>)
        %dma_start3A_179 = arith.constant 10 : i32
        %dma_start3A_180 = arith.constant 0 : i32
        %dma_start3A_181 = tpu.memref_slice %arg10[%dma_start3A_179, %dma_start3A_180] : memref<16x128xi32, #tpu.memory_space<vmem>> -> memref<1x128xi32, #tpu.memory_space<vmem>>
        %dma_start3A_182 = tpu.memref_squeeze %dma_start3A_181 : memref<1x128xi32, #tpu.memory_space<vmem>> -> memref<128xi32, #tpu.memory_space<vmem>>
        %dma_start3A_183 = arith.constant 0 : i32
        %dma_start3A_184 = arith.constant 0 : i32
        %dma_start3A_185 = tpu.memref_slice %arg7[%dma_start3A_183, %dma_start3A_184] : memref<10000x128xf32, #tpu.memory_space<hbm>> -> memref<10000x128xf32, #tpu.memory_space<hbm>>
        tpu.enqueue_indirect_dma source(%dma_start3A_185 : memref<10000x128xf32, #tpu.memory_space<hbm>>) target(%arg12 : memref<128x128xf32, #tpu.memory_space<vmem>>) offsets(%dma_start3A_182 : memref<128xi32, #tpu.memory_space<vmem>>) semaphore(%arg15 : memref<!tpu.dma_semaphore, #tpu.memory_space<semaphore_mem>>)
        %dma_wait3A_186 = arith.constant 9 : i32
        %dma_wait3A_187 = arith.constant 0 : i32
        %dma_wait3A_188 = tpu.memref_slice %arg10[%dma_wait3A_186, %dma_wait3A_187] : memref<16x128xi32, #tpu.memory_space<vmem>> -> memref<1x128xi32, #tpu.memory_space<vmem>>
        %dma_wait3A_189 = tpu.memref_squeeze %dma_wait3A_188 : memref<1x128xi32, #tpu.memory_space<vmem>> -> memref<128xi32, #tpu.memory_space<vmem>>
        %dma_wait3A_190 = arith.constant 0 : i32
        %dma_wait3A_191 = arith.constant 0 : i32
        %dma_wait3A_192 = tpu.memref_slice %arg7[%dma_wait3A_190, %dma_wait3A_191] : memref<10000x128xf32, #tpu.memory_space<hbm>> -> memref<10000x128xf32, #tpu.memory_space<hbm>>
        tpu.wait_indirect_dma semaphore(%arg16 : memref<!tpu.dma_semaphore, #tpu.memory_space<semaphore_mem>>) src(%dma_wait3A_192 : memref<10000x128xf32, #tpu.memory_space<hbm>>) dst(%arg13 : memref<128x128xf32, #tpu.memory_space<vmem>>)
        %dma_start3A_193 = arith.constant 11 : i32
        %dma_start3A_194 = arith.constant 0 : i32
        %dma_start3A_195 = tpu.memref_slice %arg10[%dma_start3A_193, %dma_start3A_194] : memref<16x128xi32, #tpu.memory_space<vmem>> -> memref<1x128xi32, #tpu.memory_space<vmem>>
        %dma_start3A_196 = tpu.memref_squeeze %dma_start3A_195 : memref<1x128xi32, #tpu.memory_space<vmem>> -> memref<128xi32, #tpu.memory_space<vmem>>
        %dma_start3A_197 = arith.constant 0 : i32
        %dma_start3A_198 = arith.constant 0 : i32
        %dma_start3A_199 = tpu.memref_slice %arg7[%dma_start3A_197, %dma_start3A_198] : memref<10000x128xf32, #tpu.memory_space<hbm>> -> memref<10000x128xf32, #tpu.memory_space<hbm>>
        tpu.enqueue_indirect_dma source(%dma_start3A_199 : memref<10000x128xf32, #tpu.memory_space<hbm>>) target(%arg13 : memref<128x128xf32, #tpu.memory_space<vmem>>) offsets(%dma_start3A_196 : memref<128xi32, #tpu.memory_space<vmem>>) semaphore(%arg16 : memref<!tpu.dma_semaphore, #tpu.memory_space<semaphore_mem>>)
        %dma_wait3A_200 = arith.constant 10 : i32
        %dma_wait3A_201 = arith.constant 0 : i32
        %dma_wait3A_202 = tpu.memref_slice %arg10[%dma_wait3A_200, %dma_wait3A_201] : memref<16x128xi32, #tpu.memory_space<vmem>> -> memref<1x128xi32, #tpu.memory_space<vmem>>
        %dma_wait3A_203 = tpu.memref_squeeze %dma_wait3A_202 : memref<1x128xi32, #tpu.memory_space<vmem>> -> memref<128xi32, #tpu.memory_space<vmem>>
        %dma_wait3A_204 = arith.constant 0 : i32
        %dma_wait3A_205 = arith.constant 0 : i32
        %dma_wait3A_206 = tpu.memref_slice %arg7[%dma_wait3A_204, %dma_wait3A_205] : memref<10000x128xf32, #tpu.memory_space<hbm>> -> memref<10000x128xf32, #tpu.memory_space<hbm>>
        tpu.wait_indirect_dma semaphore(%arg15 : memref<!tpu.dma_semaphore, #tpu.memory_space<semaphore_mem>>) src(%dma_wait3A_206 : memref<10000x128xf32, #tpu.memory_space<hbm>>) dst(%arg12 : memref<128x128xf32, #tpu.memory_space<vmem>>)
        %dma_start3A_207 = arith.constant 12 : i32
        %dma_start3A_208 = arith.constant 0 : i32
        %dma_start3A_209 = tpu.memref_slice %arg10[%dma_start3A_207, %dma_start3A_208] : memref<16x128xi32, #tpu.memory_space<vmem>> -> memref<1x128xi32, #tpu.memory_space<vmem>>
        %dma_start3A_210 = tpu.memref_squeeze %dma_start3A_209 : memref<1x128xi32, #tpu.memory_space<vmem>> -> memref<128xi32, #tpu.memory_space<vmem>>
        %dma_start3A_211 = arith.constant 0 : i32
        %dma_start3A_212 = arith.constant 0 : i32
        %dma_start3A_213 = tpu.memref_slice %arg7[%dma_start3A_211, %dma_start3A_212] : memref<10000x128xf32, #tpu.memory_space<hbm>> -> memref<10000x128xf32, #tpu.memory_space<hbm>>
        tpu.enqueue_indirect_dma source(%dma_start3A_213 : memref<10000x128xf32, #tpu.memory_space<hbm>>) target(%arg12 : memref<128x128xf32, #tpu.memory_space<vmem>>) offsets(%dma_start3A_210 : memref<128xi32, #tpu.memory_space<vmem>>) semaphore(%arg15 : memref<!tpu.dma_semaphore, #tpu.memory_space<semaphore_mem>>)
        %dma_wait3A_214 = arith.constant 11 : i32
        %dma_wait3A_215 = arith.constant 0 : i32
        %dma_wait3A_216 = tpu.memref_slice %arg10[%dma_wait3A_214, %dma_wait3A_215] : memref<16x128xi32, #tpu.memory_space<vmem>> -> memref<1x128xi32, #tpu.memory_space<vmem>>
        %dma_wait3A_217 = tpu.memref_squeeze %dma_wait3A_216 : memref<1x128xi32, #tpu.memory_space<vmem>> -> memref<128xi32, #tpu.memory_space<vmem>>
        %dma_wait3A_218 = arith.constant 0 : i32
        %dma_wait3A_219 = arith.constant 0 : i32
        %dma_wait3A_220 = tpu.memref_slice %arg7[%dma_wait3A_218, %dma_wait3A_219] : memref<10000x128xf32, #tpu.memory_space<hbm>> -> memref<10000x128xf32, #tpu.memory_space<hbm>>
        tpu.wait_indirect_dma semaphore(%arg16 : memref<!tpu.dma_semaphore, #tpu.memory_space<semaphore_mem>>) src(%dma_wait3A_220 : memref<10000x128xf32, #tpu.memory_space<hbm>>) dst(%arg13 : memref<128x128xf32, #tpu.memory_space<vmem>>)
        %dma_start3A_221 = arith.constant 13 : i32
        %dma_start3A_222 = arith.constant 0 : i32
        %dma_start3A_223 = tpu.memref_slice %arg10[%dma_start3A_221, %dma_start3A_222] : memref<16x128xi32, #tpu.memory_space<vmem>> -> memref<1x128xi32, #tpu.memory_space<vmem>>
        %dma_start3A_224 = tpu.memref_squeeze %dma_start3A_223 : memref<1x128xi32, #tpu.memory_space<vmem>> -> memref<128xi32, #tpu.memory_space<vmem>>
        %dma_start3A_225 = arith.constant 0 : i32
        %dma_start3A_226 = arith.constant 0 : i32
        %dma_start3A_227 = tpu.memref_slice %arg7[%dma_start3A_225, %dma_start3A_226] : memref<10000x128xf32, #tpu.memory_space<hbm>> -> memref<10000x128xf32, #tpu.memory_space<hbm>>
        tpu.enqueue_indirect_dma source(%dma_start3A_227 : memref<10000x128xf32, #tpu.memory_space<hbm>>) target(%arg13 : memref<128x128xf32, #tpu.memory_space<vmem>>) offsets(%dma_start3A_224 : memref<128xi32, #tpu.memory_space<vmem>>) semaphore(%arg16 : memref<!tpu.dma_semaphore, #tpu.memory_space<semaphore_mem>>)
        %dma_wait3A_228 = arith.constant 12 : i32
        %dma_wait3A_229 = arith.constant 0 : i32
        %dma_wait3A_230 = tpu.memref_slice %arg10[%dma_wait3A_228, %dma_wait3A_229] : memref<16x128xi32, #tpu.memory_space<vmem>> -> memref<1x128xi32, #tpu.memory_space<vmem>>
        %dma_wait3A_231 = tpu.memref_squeeze %dma_wait3A_230 : memref<1x128xi32, #tpu.memory_space<vmem>> -> memref<128xi32, #tpu.memory_space<vmem>>
        %dma_wait3A_232 = arith.constant 0 : i32
        %dma_wait3A_233 = arith.constant 0 : i32
        %dma_wait3A_234 = tpu.memref_slice %arg7[%dma_wait3A_232, %dma_wait3A_233] : memref<10000x128xf32, #tpu.memory_space<hbm>> -> memref<10000x128xf32, #tpu.memory_space<hbm>>
        tpu.wait_indirect_dma semaphore(%arg15 : memref<!tpu.dma_semaphore, #tpu.memory_space<semaphore_mem>>) src(%dma_wait3A_234 : memref<10000x128xf32, #tpu.memory_space<hbm>>) dst(%arg12 : memref<128x128xf32, #tpu.memory_space<vmem>>)
        %dma_start3A_235 = arith.constant 14 : i32
        %dma_start3A_236 = arith.constant 0 : i32
        %dma_start3A_237 = tpu.memref_slice %arg10[%dma_start3A_235, %dma_start3A_236] : memref<16x128xi32, #tpu.memory_space<vmem>> -> memref<1x128xi32, #tpu.memory_space<vmem>>
        %dma_start3A_238 = tpu.memref_squeeze %dma_start3A_237 : memref<1x128xi32, #tpu.memory_space<vmem>> -> memref<128xi32, #tpu.memory_space<vmem>>
        %dma_start3A_239 = arith.constant 0 : i32
        %dma_start3A_240 = arith.constant 0 : i32
        %dma_start3A_241 = tpu.memref_slice %arg7[%dma_start3A_239, %dma_start3A_240] : memref<10000x128xf32, #tpu.memory_space<hbm>> -> memref<10000x128xf32, #tpu.memory_space<hbm>>
        tpu.enqueue_indirect_dma source(%dma_start3A_241 : memref<10000x128xf32, #tpu.memory_space<hbm>>) target(%arg12 : memref<128x128xf32, #tpu.memory_space<vmem>>) offsets(%dma_start3A_238 : memref<128xi32, #tpu.memory_space<vmem>>) semaphore(%arg15 : memref<!tpu.dma_semaphore, #tpu.memory_space<semaphore_mem>>)
        %dma_wait3A_242 = arith.constant 13 : i32
        %dma_wait3A_243 = arith.constant 0 : i32
        %dma_wait3A_244 = tpu.memref_slice %arg10[%dma_wait3A_242, %dma_wait3A_243] : memref<16x128xi32, #tpu.memory_space<vmem>> -> memref<1x128xi32, #tpu.memory_space<vmem>>
        %dma_wait3A_245 = tpu.memref_squeeze %dma_wait3A_244 : memref<1x128xi32, #tpu.memory_space<vmem>> -> memref<128xi32, #tpu.memory_space<vmem>>
        %dma_wait3A_246 = arith.constant 0 : i32
        %dma_wait3A_247 = arith.constant 0 : i32
        %dma_wait3A_248 = tpu.memref_slice %arg7[%dma_wait3A_246, %dma_wait3A_247] : memref<10000x128xf32, #tpu.memory_space<hbm>> -> memref<10000x128xf32, #tpu.memory_space<hbm>>
        tpu.wait_indirect_dma semaphore(%arg16 : memref<!tpu.dma_semaphore, #tpu.memory_space<semaphore_mem>>) src(%dma_wait3A_248 : memref<10000x128xf32, #tpu.memory_space<hbm>>) dst(%arg13 : memref<128x128xf32, #tpu.memory_space<vmem>>)
        %dma_start3A_249 = arith.constant 15 : i32
        %dma_start3A_250 = arith.constant 0 : i32
        %dma_start3A_251 = tpu.memref_slice %arg10[%dma_start3A_249, %dma_start3A_250] : memref<16x128xi32, #tpu.memory_space<vmem>> -> memref<1x128xi32, #tpu.memory_space<vmem>>
        %dma_start3A_252 = tpu.memref_squeeze %dma_start3A_251 : memref<1x128xi32, #tpu.memory_space<vmem>> -> memref<128xi32, #tpu.memory_space<vmem>>
        %dma_start3A_253 = arith.constant 0 : i32
        %dma_start3A_254 = arith.constant 0 : i32
        %dma_start3A_255 = tpu.memref_slice %arg7[%dma_start3A_253, %dma_start3A_254] : memref<10000x128xf32, #tpu.memory_space<hbm>> -> memref<10000x128xf32, #tpu.memory_space<hbm>>
        tpu.enqueue_indirect_dma source(%dma_start3A_255 : memref<10000x128xf32, #tpu.memory_space<hbm>>) target(%arg13 : memref<128x128xf32, #tpu.memory_space<vmem>>) offsets(%dma_start3A_252 : memref<128xi32, #tpu.memory_space<vmem>>) semaphore(%arg16 : memref<!tpu.dma_semaphore, #tpu.memory_space<semaphore_mem>>)
        %dma_wait3A_256 = arith.constant 14 : i32
        %dma_wait3A_257 = arith.constant 0 : i32
        %dma_wait3A_258 = tpu.memref_slice %arg10[%dma_wait3A_256, %dma_wait3A_257] : memref<16x128xi32, #tpu.memory_space<vmem>> -> memref<1x128xi32, #tpu.memory_space<vmem>>
        %dma_wait3A_259 = tpu.memref_squeeze %dma_wait3A_258 : memref<1x128xi32, #tpu.memory_space<vmem>> -> memref<128xi32, #tpu.memory_space<vmem>>
        %dma_wait3A_260 = arith.constant 0 : i32
        %dma_wait3A_261 = arith.constant 0 : i32
        %dma_wait3A_262 = tpu.memref_slice %arg7[%dma_wait3A_260, %dma_wait3A_261] : memref<10000x128xf32, #tpu.memory_space<hbm>> -> memref<10000x128xf32, #tpu.memory_space<hbm>>
        tpu.wait_indirect_dma semaphore(%arg15 : memref<!tpu.dma_semaphore, #tpu.memory_space<semaphore_mem>>) src(%dma_wait3A_262 : memref<10000x128xf32, #tpu.memory_space<hbm>>) dst(%arg12 : memref<128x128xf32, #tpu.memory_space<vmem>>)
        %dma_wait3A_263 = arith.constant 15 : i32
        %dma_wait3A_264 = arith.constant 0 : i32
        %dma_wait3A_265 = tpu.memref_slice %arg10[%dma_wait3A_263, %dma_wait3A_264] : memref<16x128xi32, #tpu.memory_space<vmem>> -> memref<1x128xi32, #tpu.memory_space<vmem>>
        %dma_wait3A_266 = tpu.memref_squeeze %dma_wait3A_265 : memref<1x128xi32, #tpu.memory_space<vmem>> -> memref<128xi32, #tpu.memory_space<vmem>>
        %dma_wait3A_267 = arith.constant 0 : i32
        %dma_wait3A_268 = arith.constant 0 : i32
        %dma_wait3A_269 = tpu.memref_slice %arg7[%dma_wait3A_267, %dma_wait3A_268] : memref<10000x128xf32, #tpu.memory_space<hbm>> -> memref<10000x128xf32, #tpu.memory_space<hbm>>
        tpu.wait_indirect_dma semaphore(%arg16 : memref<!tpu.dma_semaphore, #tpu.memory_space<semaphore_mem>>) src(%dma_wait3A_269 : memref<10000x128xf32, #tpu.memory_space<hbm>>) dst(%arg13 : memref<128x128xf32, #tpu.memory_space<vmem>>)
      }
      %scan3A_36 = arith.constant 10 : i32
      %barrier3A_37 = arith.constant 0 : index
      tpu.barrier barrier_id(%barrier3A_37)
      %mul3A_38 = arith.constant 632 : i32
      %mul3A_39 = arith.muli %arg1, %mul3A_38 : i32
      %mul3A_40 = arith.constant 632 : i32
      %mul3A_41 = arith.muli %arg1, %mul3A_40 : i32
      "tpu.region"() ({
        %run_scoped3A = tpu.sem_alloc : memref<!tpu.dma_semaphore, #tpu.memory_space<semaphore_mem>>
        %dma_start3A = arith.constant 0 : i32
        %dma_start3A_42 = tpu.memref_slice %arg9[%mul3A_41, %dma_start3A] : memref<10112x128xf32, #tpu.memory_space<hbm>> -> memref<632x128xf32, #tpu.memory_space<hbm>>
        %dma_start3A_43 = arith.constant 0 : i32
        %dma_start3A_44 = tpu.memref_slice %arg14[%mul3A_39, %dma_start3A_43] : memref<10240x128xf32, #tpu.memory_space<vmem_shared>> -> memref<632x128xf32, #tpu.memory_space<vmem_shared>>
        tpu.enqueue_dma source(%dma_start3A_44 : memref<632x128xf32, #tpu.memory_space<vmem_shared>>) target(%dma_start3A_42 : memref<632x128xf32, #tpu.memory_space<hbm>>) target_semaphore(%run_scoped3A : memref<!tpu.dma_semaphore, #tpu.memory_space<semaphore_mem>>)
        %dma_wait3A = arith.constant 0 : i32
        %dma_wait3A_45 = tpu.memref_slice %arg9[%mul3A_41, %dma_wait3A] : memref<10112x128xf32, #tpu.memory_space<hbm>> -> memref<632x128xf32, #tpu.memory_space<hbm>>
        %dma_wait3A_46 = arith.constant 0 : i32
        %dma_wait3A_47 = tpu.memref_slice %arg14[%mul3A_39, %dma_wait3A_46] : memref<10240x128xf32, #tpu.memory_space<vmem_shared>> -> memref<632x128xf32, #tpu.memory_space<vmem_shared>>
        tpu.wait_dma2 semaphore(%run_scoped3A : memref<!tpu.dma_semaphore, #tpu.memory_space<semaphore_mem>>) src(%dma_wait3A_47 : memref<632x128xf32, #tpu.memory_space<vmem_shared>>) dst(%dma_wait3A_45 : memref<632x128xf32, #tpu.memory_space<hbm>>)
        tpu.yield
      }) : () -> ()
    } else {
    }
    return
  }
}

module attributes {stable_mosaic.version = 14 : i64} {
  func.func @_proj2_body(%arg0: i32, %arg1: memref<1000x128xf32, #tpu.memory_space<vmem>>, %arg2: memref<128x128xf32, #tpu.memory_space<vmem>>, %arg3: memref<1x128xf32, #tpu.memory_space<vmem>>, %arg4: memref<128x128xf32, #tpu.memory_space<vmem>>, %arg5: memref<1x128xf32, #tpu.memory_space<vmem>>, %arg6: memref<1000x128xf32, #tpu.memory_space<vmem>>, %arg7: memref<1000x128xf32, #tpu.memory_space<vmem>>) attributes {dimension_semantics = [#tpu.dimension_semantics<arbitrary>], iteration_bounds = array<i64: 10>, scalar_prefetch = 0 : i64, scratch_operands = 0 : i64, tpu.core_type = #tpu.core_type<tc>, window_params = [{transform_indices = @transform_0, window_bounds = array<i64: 1000, 128>}, {pipeline_mode = #tpu.pipeline_mode<synchronous>, transform_indices = @transform_1, window_bounds = array<i64: 128, 128>}, {pipeline_mode = #tpu.pipeline_mode<synchronous>, transform_indices = @transform_2, window_bounds = array<i64: 1, 128>}, {pipeline_mode = #tpu.pipeline_mode<synchronous>, transform_indices = @transform_3, window_bounds = array<i64: 128, 128>}, {pipeline_mode = #tpu.pipeline_mode<synchronous>, transform_indices = @transform_4, window_bounds = array<i64: 1, 128>}, {transform_indices = @transform_5, window_bounds = array<i64: 1000, 128>}, {transform_indices = @transform_6, window_bounds = array<i64: 1000, 128>}]} {
    %get3A = arith.constant 0 : index
    %get3A_0 = arith.constant 0 : index
    %get3A_1 = vector.load %arg1[%get3A, %get3A_0] : memref<1000x128xf32, #tpu.memory_space<vmem>>, vector<1000x128xf32>
    %get3A_2 = arith.constant 0 : index
    %get3A_3 = arith.constant 0 : index
    %get3A_4 = vector.load %arg2[%get3A_2, %get3A_3] : memref<128x128xf32, #tpu.memory_space<vmem>>, vector<128x128xf32>
    %dot_general3A = arith.constant dense<0.000000e+00> : vector<1000x128xf32>
    %dot_general3A_5 = tpu.matmul %get3A_1, %get3A_4, %dot_general3A {dimension_numbers = #tpu.dot_dimension_numbers<[1], [0], [0], [1], [0, 0, 1, 1], [], []>, transpose_lhs_hint = false} : vector<1000x128xf32>, vector<128x128xf32>, vector<1000x128xf32> -> vector<1000x128xf32>
    %get3A_6 = arith.constant 0 : index
    %get3A_7 = arith.constant 0 : index
    %get3A_8 = vector.load %arg3[%get3A_6, %get3A_7] : memref<1x128xf32, #tpu.memory_space<vmem>>, vector<1x128xf32>
    %add3A = vector.broadcast %get3A_8 : vector<1x128xf32> to vector<1000x128xf32>
    %add3A_9 = arith.addf %dot_general3A_5, %add3A : vector<1000x128xf32>
    %max3A = arith.constant 0.000000e+00 : f32
    %max3A_10 = vector.broadcast %max3A : f32 to vector<1000x128xf32>
    %max3A_11 = arith.maximumf %add3A_9, %max3A_10 : vector<1000x128xf32>
    %swap3A = arith.constant 0 : index
    %swap3A_12 = arith.constant 0 : index
    %swap3A_13 = vector.load %arg6[%swap3A, %swap3A_12] : memref<1000x128xf32, #tpu.memory_space<vmem>>, vector<1000x128xf32>
    tpu.vector_store %arg6[%swap3A, %swap3A_12], %max3A_11 {strides = array<i32>} : memref<1000x128xf32, #tpu.memory_space<vmem>>, vector<1000x128xf32>,
    %get3A_14 = arith.constant 0 : index
    %get3A_15 = arith.constant 0 : index
    %get3A_16 = vector.load %arg4[%get3A_14, %get3A_15] : memref<128x128xf32, #tpu.memory_space<vmem>>, vector<128x128xf32>
    %dot_general3A_17 = arith.constant dense<0.000000e+00> : vector<1000x128xf32>
    %dot_general3A_18 = tpu.matmul %get3A_1, %get3A_16, %dot_general3A_17 {dimension_numbers = #tpu.dot_dimension_numbers<[1], [0], [0], [1], [0, 0, 1, 1], [], []>, transpose_lhs_hint = false} : vector<1000x128xf32>, vector<128x128xf32>, vector<1000x128xf32> -> vector<1000x128xf32>
    %get3A_19 = arith.constant 0 : index
    %get3A_20 = arith.constant 0 : index
    %get3A_21 = vector.load %arg5[%get3A_19, %get3A_20] : memref<1x128xf32, #tpu.memory_space<vmem>>, vector<1x128xf32>
    %add3A_22 = vector.broadcast %get3A_21 : vector<1x128xf32> to vector<1000x128xf32>
    %add3A_23 = arith.addf %dot_general3A_18, %add3A_22 : vector<1000x128xf32>
    %max3A_24 = arith.constant 0.000000e+00 : f32
    %max3A_25 = vector.broadcast %max3A_24 : f32 to vector<1000x128xf32>
    %max3A_26 = arith.maximumf %add3A_23, %max3A_25 : vector<1000x128xf32>
    %swap3A_27 = arith.constant 0 : index
    %swap3A_28 = arith.constant 0 : index
    %swap3A_29 = vector.load %arg7[%swap3A_27, %swap3A_28] : memref<1000x128xf32, #tpu.memory_space<vmem>>, vector<1000x128xf32>
    tpu.vector_store %arg7[%swap3A_27, %swap3A_28], %max3A_26 {strides = array<i32>} : memref<1000x128xf32, #tpu.memory_space<vmem>>, vector<1000x128xf32>,
    return
  }
  func.func @transform_0(%arg0: i32) -> (i32, i32) {
    %c0_i32 = arith.constant 0 : i32
    %c0_i32_0 = arith.constant 0 : i32
    return %arg0, %c0_i32 : i32, i32
  }
  func.func @transform_1(%arg0: i32) -> (i32, i32) {
    %c0_i32 = arith.constant 0 : i32
    %c0_i32_0 = arith.constant 0 : i32
    %c0_i32_1 = arith.constant 0 : i32
    return %c0_i32, %c0_i32_0 : i32, i32
  }
  func.func @transform_2(%arg0: i32) -> (i32, i32) {
    %c0_i32 = arith.constant 0 : i32
    %c0_i32_0 = arith.constant 0 : i32
    %c0_i32_1 = arith.constant 0 : i32
    return %c0_i32, %c0_i32_0 : i32, i32
  }
  func.func @transform_3(%arg0: i32) -> (i32, i32) {
    %c0_i32 = arith.constant 0 : i32
    %c0_i32_0 = arith.constant 0 : i32
    %c0_i32_1 = arith.constant 0 : i32
    return %c0_i32, %c0_i32_0 : i32, i32
  }
  func.func @transform_4(%arg0: i32) -> (i32, i32) {
    %c0_i32 = arith.constant 0 : i32
    %c0_i32_0 = arith.constant 0 : i32
    %c0_i32_1 = arith.constant 0 : i32
    return %c0_i32, %c0_i32_0 : i32, i32
  }
  func.func @transform_5(%arg0: i32) -> (i32, i32) {
    %c0_i32 = arith.constant 0 : i32
    %c0_i32_0 = arith.constant 0 : i32
    return %arg0, %c0_i32 : i32, i32
  }
  func.func @transform_6(%arg0: i32) -> (i32, i32) {
    %c0_i32 = arith.constant 0 : i32
    %c0_i32_0 = arith.constant 0 : i32
    return %arg0, %c0_i32 : i32, i32
  }
}

module attributes {stable_mosaic.version = 14 : i64} {
  func.func @_post_body(%arg0: i32, %arg1: memref<1000x128xf32, #tpu.memory_space<vmem>>, %arg2: memref<1000x128xf32, #tpu.memory_space<vmem>>, %arg3: memref<128x128xf32, #tpu.memory_space<vmem>>, %arg4: memref<1x128xf32, #tpu.memory_space<vmem>>, %arg5: memref<128x128xf32, #tpu.memory_space<vmem>>, %arg6: memref<1x128xf32, #tpu.memory_space<vmem>>, %arg7: memref<1000x128xf32, #tpu.memory_space<vmem>>) attributes {dimension_semantics = [#tpu.dimension_semantics<arbitrary>], iteration_bounds = array<i64: 10>, scalar_prefetch = 0 : i64, scratch_operands = 0 : i64, tpu.core_type = #tpu.core_type<tc>, window_params = [{transform_indices = @transform_0, window_bounds = array<i64: 1000, 128>}, {transform_indices = @transform_1, window_bounds = array<i64: 1000, 128>}, {pipeline_mode = #tpu.pipeline_mode<synchronous>, transform_indices = @transform_2, window_bounds = array<i64: 128, 128>}, {pipeline_mode = #tpu.pipeline_mode<synchronous>, transform_indices = @transform_3, window_bounds = array<i64: 1, 128>}, {pipeline_mode = #tpu.pipeline_mode<synchronous>, transform_indices = @transform_4, window_bounds = array<i64: 128, 128>}, {pipeline_mode = #tpu.pipeline_mode<synchronous>, transform_indices = @transform_5, window_bounds = array<i64: 1, 128>}, {transform_indices = @transform_6, window_bounds = array<i64: 1000, 128>}]} {
    %get3A = arith.constant 0 : index
    %get3A_0 = arith.constant 0 : index
    %get3A_1 = vector.load %arg1[%get3A, %get3A_0] : memref<1000x128xf32, #tpu.memory_space<vmem>>, vector<1000x128xf32>
    %get3A_2 = arith.constant 0 : index
    %get3A_3 = arith.constant 0 : index
    %get3A_4 = vector.load %arg2[%get3A_2, %get3A_3] : memref<1000x128xf32, #tpu.memory_space<vmem>>, vector<1000x128xf32>
    %add3A = arith.addf %get3A_1, %get3A_4 : vector<1000x128xf32>
    %get3A_5 = arith.constant 0 : index
    %get3A_6 = arith.constant 0 : index
    %get3A_7 = vector.load %arg3[%get3A_5, %get3A_6] : memref<128x128xf32, #tpu.memory_space<vmem>>, vector<128x128xf32>
    %dot_general3A = arith.constant dense<0.000000e+00> : vector<1000x128xf32>
    %dot_general3A_8 = tpu.matmul %add3A, %get3A_7, %dot_general3A {dimension_numbers = #tpu.dot_dimension_numbers<[1], [0], [0], [1], [0, 0, 1, 1], [], []>, transpose_lhs_hint = false} : vector<1000x128xf32>, vector<128x128xf32>, vector<1000x128xf32> -> vector<1000x128xf32>
    %get3A_9 = arith.constant 0 : index
    %get3A_10 = arith.constant 0 : index
    %get3A_11 = vector.load %arg4[%get3A_9, %get3A_10] : memref<1x128xf32, #tpu.memory_space<vmem>>, vector<1x128xf32>
    %add3A_12 = vector.broadcast %get3A_11 : vector<1x128xf32> to vector<1000x128xf32>
    %add3A_13 = arith.addf %dot_general3A_8, %add3A_12 : vector<1000x128xf32>
    %max3A = arith.constant 0.000000e+00 : f32
    %max3A_14 = vector.broadcast %max3A : f32 to vector<1000x128xf32>
    %max3A_15 = arith.maximumf %add3A_13, %max3A_14 : vector<1000x128xf32>
    %get3A_16 = arith.constant 0 : index
    %get3A_17 = arith.constant 0 : index
    %get3A_18 = vector.load %arg5[%get3A_16, %get3A_17] : memref<128x128xf32, #tpu.memory_space<vmem>>, vector<128x128xf32>
    %dot_general3A_19 = arith.constant dense<0.000000e+00> : vector<1000x128xf32>
    %dot_general3A_20 = tpu.matmul %max3A_15, %get3A_18, %dot_general3A_19 {dimension_numbers = #tpu.dot_dimension_numbers<[1], [0], [0], [1], [0, 0, 1, 1], [], []>, transpose_lhs_hint = false} : vector<1000x128xf32>, vector<128x128xf32>, vector<1000x128xf32> -> vector<1000x128xf32>
    %get3A_21 = arith.constant 0 : index
    %get3A_22 = arith.constant 0 : index
    %get3A_23 = vector.load %arg6[%get3A_21, %get3A_22] : memref<1x128xf32, #tpu.memory_space<vmem>>, vector<1x128xf32>
    %add3A_24 = vector.broadcast %get3A_23 : vector<1x128xf32> to vector<1000x128xf32>
    %add3A_25 = arith.addf %dot_general3A_20, %add3A_24 : vector<1000x128xf32>
    %swap3A = arith.constant 0 : index
    %swap3A_26 = arith.constant 0 : index
    %swap3A_27 = vector.load %arg7[%swap3A, %swap3A_26] : memref<1000x128xf32, #tpu.memory_space<vmem>>, vector<1000x128xf32>
    tpu.vector_store %arg7[%swap3A, %swap3A_26], %add3A_25 {strides = array<i32>} : memref<1000x128xf32, #tpu.memory_space<vmem>>, vector<1000x128xf32>,
    return
  }
  func.func @transform_0(%arg0: i32) -> (i32, i32) {
    %c0_i32 = arith.constant 0 : i32
    %c0_i32_0 = arith.constant 0 : i32
    return %arg0, %c0_i32 : i32, i32
  }
  func.func @transform_1(%arg0: i32) -> (i32, i32) {
    %c0_i32 = arith.constant 0 : i32
    %c0_i32_0 = arith.constant 0 : i32
    return %arg0, %c0_i32 : i32, i32
  }
  func.func @transform_2(%arg0: i32) -> (i32, i32) {
    %c0_i32 = arith.constant 0 : i32
    %c0_i32_0 = arith.constant 0 : i32
    %c0_i32_1 = arith.constant 0 : i32
    return %c0_i32, %c0_i32_0 : i32, i32
  }
  func.func @transform_3(%arg0: i32) -> (i32, i32) {
    %c0_i32 = arith.constant 0 : i32
    %c0_i32_0 = arith.constant 0 : i32
    %c0_i32_1 = arith.constant 0 : i32
    return %c0_i32, %c0_i32_0 : i32, i32
  }
  func.func @transform_4(%arg0: i32) -> (i32, i32) {
    %c0_i32 = arith.constant 0 : i32
    %c0_i32_0 = arith.constant 0 : i32
    %c0_i32_1 = arith.constant 0 : i32
    return %c0_i32, %c0_i32_0 : i32, i32
  }
  func.func @transform_5(%arg0: i32) -> (i32, i32) {
    %c0_i32 = arith.constant 0 : i32
    %c0_i32_0 = arith.constant 0 : i32
    %c0_i32_1 = arith.constant 0 : i32
    return %c0_i32, %c0_i32_0 : i32, i32
  }
  func.func @transform_6(%arg0: i32) -> (i32, i32) {
    %c0_i32 = arith.constant 0 : i32
    %c0_i32_0 = arith.constant 0 : i32
    return %arg0, %c0_i32 : i32, i32
  }
}

</mosaic_0001>

<sc_bundles>
// kernel: kernel.7.cloned.1.call-start
scs
__scs_entry_jumppad:
0x0: {  	(pc) =	sbr.rel $0x88, $3  }
0x1: {  	(tag) =	ssettag $0x0;
	lr =	simm.s32 $0x1  }
0x2: {  	[smem:$0x3F8E] =	sst lr;
	_ =	strace $0xD0000000  }
0x3: {  	_ = 	snop  }
0x4: {  	_ = 	snop  }
0x5: {  	_ = 	snop  }
0x6: {  	_ = 	snop  }
0x7: {  	_ = 	snop  }
__scs_overlays_trampoline_lowered:
0x8: {  	[smem:$0x3F9D] =	sst s0  }
0x9: {  	[smem:$0x3F9E] =	sst s1  }
0xa: {  	[smem:$0x3F9F] =	sst s2  }
0xb: {  	[smem:$0x3FA0] =	sst s3  }
0xc: {  	[smem:$0x3FA1] =	sst s4  }
0xd: {  	[smem:$0x3FA2] =	sst s5  }
0xe: {  	[smem:$0x3FA3] =	sst s6  }
0xf: {  	[smem:$0x3FA4] =	sst s7  }
0x10: {  	[smem:$0x3FA5] =	sst s8  }
0x11: {  	[smem:$0x3FA6] =	sst s9;
	s0 =	simm.s32 @!p0 $0x0  }
0x12: {  	s1 =	sld [smem:$0x3F8C];
	s0 =	simm.s32 @p0 $0x1  }
0x13: {  	[smem:$0x3FA7] =	sst s0;
	s0 =	simm.s32 @!p1 $0x0  }
0x14: {  	s2 =	sld [smem:$0x3F8B];
	s0 =	simm.s32 @p1 $0x1  }
0x15: {  	[smem:$0x3FA8] =	sst s0;
	s0 =	simm.s32 @!p2 $0x0  }
0x16: {  	s3 =	sld [smem:$0x3FDB];
	s0 =	simm.s32 @p2 $0x1  }
0x17: {  	s4 =	simm.s32 $0x1BF5;
	[smem:$0x3FAA] =	sst s0  }
0x18: {  	s0 =	sld [smem:$0x3F8D];
	_ =	swait.ge [sflag:s4], $0x0  }
0x19: {  	s7 =	sld [smem:$0x3F8E]  }
0x1a: {  	s8 =	sadd.s32 $0xFFFFE003, lr  }
0x1b: {  	s9 =	sadd.s32 $0xFFFFFEF7, lr;
	s5 =	simm.s32 $0xFFFFFFFF;
	p2 =	slt.u32 s8, $0xFFFFF086  }
0x1c: {  	p1 =	slt.u32 s9, $0xF7A;
	s5 =	simm.s32 @!p2 $0x0  }
0x1d: {  	s5 =	simm.s32 @p1 $0x1;
	p0 =	seq.s32 s7, s2  }
0x1e: {  	s7 =	smul.u32 @!p0 $0xF7A, s2;
	p2 =	seq.s32 @!p0 s5, $0x0  }
0x1f: {  	s9 =	smul.u32 $0xF7A, s1;
	s8 =	simm.s32 @!p0 $0x1BF5;
	p2 =	por !p2, p0  }
0x20: {  	[sflag:s8] =	ssyncset.s32 @!p0 $0xFFFFF086;
	s6 =	sadd.s32 @!p0 s3, s7;
	s7 =	simm.s32 @!p0 $0x108  }
0x21: {  	s3 =	sadd.s32 s3, s9;
	s6 =	sadd.s32 @!p0 $0x88, s6;
	s7 =	simm.s32 @p2 $0x1082  }
0x22: {  	[simem:s7], [sflag:s8] =	dma.local @!p0 [hbm:s6], $0xF7A  }
0x23: {  	s9 =	sor.u32 $0xD0000000, s2;
	s6 =	simm.s32 $0x108;
	_ =	swait.ge @!p0 [sflag:s8], $0x0  }
0x24: {  	s3 =	sadd.s32 $0x88, s3;
	s6 =	simm.s32 @!p1 $0x1082;
	[sflag:s4] =	ssyncset.s32 $0xFFFFF086  }
0x25: {  	[simem:s6], [sflag:s4] =	dma.local [hbm:s3], $0xF7A  }
0x26: {  	[smem:$0x3F8E] =	sst s1;
	(tag) =	ssettag s2;
	_ =	strace s9  }
0x27: {  	s1 =	sld [smem:$0x3F9E]  }
0x28: {  	s2 =	sld [smem:$0x3F9F]  }
0x29: {  	s4 =	sld [smem:$0x3FA1]  }
0x2a: {  	p0 =	seq.s32 s5, $0x0;
	s5 =	sld [smem:$0x3FA2]  }
0x2b: {  	s6 =	sld [smem:$0x3FA3]  }
0x2c: {  	s7 =	sld [smem:$0x3FA4]  }
0x2d: {  	s3 =	simm.s32 $0x108;
	s8 =	sld [smem:$0x3FA5]  }
0x2e: {  	s3 =	simm.s32 @!p0 $0x1082;
	s9 =	sld [smem:$0x3FA6]  }
0x2f: {  	lr =	sadd.s32 s0, s3;
	s0 =	sld [smem:$0x3F9D]  }
0x30: {  	s3 =	sld [smem:$0x3FA0]  }
0x31: {  	[smem:$0x3FA9] =	sst s10  }
0x32: {  	s10 =	sld [smem:$0x3FA7];
	_ =	sdelay $0x3  }
0x33: {  	p0 =	seq.s32 s10, $0x1;
	s10 =	sld [smem:$0x3FA9];
	_ =	sdelay $0x3  }
0x34: {  	[smem:$0x3FA9] =	sst s10  }
0x35: {  	s10 =	sld [smem:$0x3FA8];
	_ =	sdelay $0x3  }
0x36: {  	p1 =	seq.s32 s10, $0x1;
	s10 =	sld [smem:$0x3FA9];
	_ =	sdelay $0x3  }
0x37: {  	[smem:$0x3FA9] =	sst s10  }
0x38: {  	s10 =	sld [smem:$0x3FAA]  }
0x39: {  	_ = 	snop;
	(pc) =	sbr.ind lr, $3  }
0x3a: {  	_ = 	snop  }
0x3b: {  	_ = 	snop  }
0x3c: {  	p2 =	seq.s32 s10, $0x1;
	s10 =	sld [smem:$0x3FA9]  }
0x3d: {  	_ =	shalt  }
0x3e: {  	_ =	shalt  }
0x3f: {  	_ =	shalt  }
0x40: {  	_ =	shalt  }
0x41: {  	_ =	shalt  }
0x42: {  	_ =	shalt  }
0x43: {  	_ =	shalt  }
0x44: {  	_ =	shalt  }
0x45: {  	_ =	shalt  }
0x46: {  	_ =	shalt  }
0x47: {  	_ =	shalt  }
0x48: {  	_ =	shalt  }
0x49: {  	_ =	shalt  }
0x4a: {  	_ =	shalt  }
0x4b: {  	_ =	shalt  }
0x4c: {  	_ =	shalt  }
0x4d: {  	_ =	shalt  }
0x4e: {  	_ =	shalt  }
0x4f: {  	_ =	shalt  }
0x50: {  	_ =	shalt  }
0x51: {  	_ =	shalt  }
0x52: {  	_ =	shalt  }
0x53: {  	_ =	shalt  }
0x54: {  	_ =	shalt  }
0x55: {  	_ =	shalt  }
0x56: {  	_ =	shalt  }
0x57: {  	_ =	shalt  }
0x58: {  	_ =	shalt  }
0x59: {  	_ =	shalt  }
0x5a: {  	_ =	shalt  }
0x5b: {  	_ =	shalt  }
0x5c: {  	_ =	shalt  }
0x5d: {  	_ =	shalt  }
0x5e: {  	_ =	shalt  }
0x5f: {  	_ =	shalt  }
0x60: {  	_ =	shalt  }
0x61: {  	_ =	shalt  }
0x62: {  	_ =	shalt  }
0x63: {  	_ =	shalt  }
0x64: {  	_ =	shalt  }
0x65: {  	_ =	shalt  }
0x66: {  	_ =	shalt  }
0x67: {  	_ =	shalt  }
0x68: {  	_ =	shalt  }
0x69: {  	_ =	shalt  }
0x6a: {  	_ =	shalt  }
0x6b: {  	_ =	shalt  }
0x6c: {  	_ =	shalt  }
0x6d: {  	_ =	shalt  }
0x6e: {  	_ =	shalt  }
0x6f: {  	_ =	shalt  }
0x70: {  	_ =	shalt  }
0x71: {  	_ =	shalt  }
0x72: {  	_ =	shalt  }
0x73: {  	_ =	shalt  }
0x74: {  	_ =	shalt  }
0x75: {  	_ =	shalt  }
0x76: {  	_ =	shalt  }
0x77: {  	_ =	shalt  }
0x78: {  	_ =	shalt  }
0x79: {  	_ =	shalt  }
0x7a: {  	_ =	shalt  }
0x7b: {  	_ =	shalt  }
0x7c: {  	_ =	shalt  }
0x7d: {  	_ =	shalt  }
0x7e: {  	_ =	shalt  }
0x7f: {  	_ =	shalt  }
0x80: {  	_ =	shalt  }
0x81: {  	_ =	shalt  }
0x82: {  	_ =	shalt  }
0x83: {  	_ =	shalt  }
0x84: {  	_ =	shalt  }
0x85: {  	_ =	shalt  }
0x86: {  	_ =	shalt  }
0x87: {  	_ =	shalt  }
.Lfunc_end0:
.L_simem_size_0:
called_computation_lowered:
.L_overlay_start_0:
0x88: {  	s2 =	sld [smem:$0x3FD9]  }
0x89: {  	s3 =	sld [smem:$0x3FFE];
	_ =	sdelay $0x1  }
0x8a: {  	s1 =	srdreg.scid  }
0x8b: {  	s0 =	sand.u32 $0x1, s1  }
0x8c: {  	s14 =	sshll.u32 s0, $0xA;
	s2 =	sadd.s32 s3, s2  }
0x8d: {  	s2 =	sadd.s32 s2, s14  }
0x8e: {  	[smem:$0x3FB5] =	sst s2  }
0x8f: {  	_ = 	snop  }
0x90: {  	s2 =	sld [smem:$0x3FD0];
	_ =	sdelay $0x2  }
0x91: {  	s15 =	simm.s32 $0xA;
	s4 =	simm.s32 $0x10  }
0x92: {  	[smem:s4], [sflag:s15] =	dma.local [hbm:s2], $0x1  }
0x93: {  	_ =	swait.eq [sflag:s15], $0x1  }
0x94: {  	[sflag:s15] =	ssyncset.done $0x0  }
0x95: {  	s16 =	sld [smem:$0x10];
	[sflag:s15] =	ssyncadd.s32 $0xFFFFFFFF  }
0x96: {  	s17 =	sld [smem:$0x11];
	(tm) =	ssettm $0x1  }
0x97: {  	s18 =	sld [smem:$0x3FFB];
	_ =	sdelay $0x3  }
0x98: {  	_ =	strace s18  }
0x99: {  	s4 =	sld [smem:$0x3FFC];
	_ =	sdelay $0x3  }
0x9a: {  	_ =	strace s4  }
0x9b: {  	s4 =	sld [smem:$0x3FFD];
	_ =	sdelay $0x3  }
0x9c: {  	_ =	strace s4  }
0x9d: {  	_ =	strace $0x8FFFFFFF  }
0x9e: {  	s19 =	sld [smem:$0x3FDB];
	_ =	sdelay $0x1  }
0x9f: {  	s5 =	simm.s32 $_scs_section_size  }
0xa0: {  	s6 =	simm.s32 $_size__tile_overlayer_lowered;
	s7 =	simm.s32 $_tile_overlayer_lowered  }
0xa1: {  	s22 =	simm.s32 $0x1BFF;
	s21 =	sshll.u32 s7, $0x1;
	s4 =	sadd.s32 s5, s19  }
0xa2: {  	s8 =	simm.s32 $0x0;
	s20 =	sshll.u32 s6, $0x1;
	s6 =	sadd.s32 s21, s4  }
0xa3: {  	[timem:s8], [sflag:s22] =	dma.local [hbm:s6], s20  }
0xa4: {  	_ =	swait.ge [sflag:s22], s20  }
0xa5: {  	s5 =	ssub.s32 $0x0, s20;
	[sflag:s22] =	ssyncset.done $0x0  }
0xa6: {  	[sflag:s22] =	ssyncadd.s32 s5;
	_ =	sdelay $0x1  }
0xa7: {  	s23 =	simm.s32 $0x1B8B  }
0xa8: {  	_ =	swait.ge [sflag:s23], $0x1  }
0xa9: {  	[sflag:s23] =	ssyncset.done $0x0  }
0xaa: {  	s25 =	simm.s32 $0x1B8E;
	s24 =	sld [smem:$0x3FFE];
	[sflag:s23] =	ssyncadd.s32 $0xFFFFFFFF  }
0xab: {  	s26 =	simm.s32 $execute0_lowered;
	[smem:$0x3FD2] =	sst s25  }
0xac: {  	s6 =	sshll.u32 s26, $0x1;
	_ =	strace $0x80000046;
	[dreg:$0x1] =	wrdreg $0xFFFFFFFF  }
0xad: {  	s28 =	simm.s32 $_size_execute0_lowered;
	s4 =	sadd.s32 s4, s6;
	[dreg:$0x0] =	wrdreg $0x0  }
0xae: {  	s6 =	sshll.u32 s28, $0x1;
	[dreg:$0x2] =	wrdreg s4  }
0xaf: {  	[dreg:$0x3] =	wrdreg s6  }
0xb0: {  	[dreg:$0x4] =	wrdreg $0xC0  }
0xb1: {  	_ =	task [dreg:s8], $0x5FFFF  }
0xb2: {  	[dreg:$0x1] =	wrdreg $0xFFFFFFFF  }
0xb3: {  	[dreg:$0x0] =	wrdreg $0x60  }
0xb4: {  	[dreg:$0x2] =	wrdreg s24  }
0xb5: {  	[dreg:$0x3] =	wrdreg s17  }
0xb6: {  	[dreg:$0x4] =	wrdreg s16  }
0xb7: {  	[dreg:$0x5] =	wrdreg $0x90000  }
0xb8: {  	[dreg:$0x6] =	wrdreg $0x9  }
0xb9: {  	_ =	task.clear_ibuf [dreg:s8], $0x7FFFF;
	_ =	strace $0x90000046  }
0xba: {  	s29 =	simm.s32 $0x9;
	_ =	strace $0x80000048  }
0xbb: {  	_ =	swait.ge [sflag:s29], $0x1  }
0xbc: {  	[sflag:s29] =	ssyncadd.s32 $0xFFFFFFFF  }
0xbd: {  	_ =	strace $0x90000048  }
0xbe: {  	_ =	sfence  }
0xbf: {  	s30 =	sld [smem:$0x0];
	_ =	sdelay $0x2  }
0xc0: {  	s31 =	sshll.u32 s1, $0xD;
	s1 =	sshrl.u32 s1, $0x2  }
0xc1: {  	s3 =	sand.u32 $0x4000, s31;
	s1 =	sadd.s32 s1, s30  }
0xc2: {  	s0 =	sor.u32 s3, s0;
	s1 =	sshll.u32 s1, $0x11  }
0xc3: {  	s0 =	sor.u32 s1, s0  }
0xc4: {  	s0 =	sadd.s32 $0x8F2B, s0  }
0xc5: {  	[sflag:s0] =	ssyncadd.remote.s32 $0x1  }
0xc6: {  	_ =	sfence.sel $0xFFFF  }
0xc7: {  	[dreg:$0x0] =	wrdreg $0xFFFFFFFF;
	(pc) =	sbr.abs _section_cstart, $3  }
0xc8: {  	[dreg:$0x1] =	wrdreg $0xFFFFFFFF  }
0xc9: {  	_ =	task.clear_ibuf [dreg:s8], $0x2FFFF;
	_ =	strace $0x9FFFFFFF  }
0xca: {  	(tm) =	ssettm $0x7FFFFFFF  }
0xcb: {  	_ =	shalt  }
tec
execute0_lowered:
.L_overlay_start_1:
0x0: {  	(tag) =	ssettag $0x1  }
0x1: {  	s0 =	rddreg [dreg:$0x0]  }
0x2: {  	s1 =	rddreg [dreg:$0x1]  }
0x3: {  	s2 =	rddreg [dreg:$0x2]  }
0x4: {  	s3 =	rddreg [dreg:$0x3]  }
0x5: {  	s4 =	simm.s32 $0x0;
	s9 =	stileid.u32;
	s6 =	srdreg.scid  }
0x6: {  	s28 =	simm.s32 $0x180;
	s29 =	simm.s32 $0x200;
	s30 =	simm.s32 $0x280  }
0x7: {  	s31 =	simm.s32 $0x300;
	s11 =	simm.s32 $0x700;
	s5 =	smul.u32 $0xA00, s9  }
0x8: {  	s12 =	simm.s32 $0x780;
	[smem:$0x7FF] =	sst s4;
	s7 =	smul.u32 $0x50000, s9  }
0x9: {  	s6 =	sand.u32 $0x1, s6;
	s8 =	sadd.s32 $0x2BC00, s0;
	s19 =	smul.u32 $0x4F000, s9  }
0xa: {  	s23 =	smul.u32 $0x2780, s9;
	s9 =	simm.s32 $0x600;
	_ =	strace $0x80000047  }
0xb: {  	[dreg:$0x7] =	wrdreg s8;
	s16 =	ssub.s32 $0x2, s6;
	p0 =	seq.s32 s6, $0x1  }
0xc: {  	s6 =	simm.s32 $0x480;
	s5 =	sadd.s32 s5, s0;
	s0 =	sadd.s32 $0x53400, s0  }
0xd: {  	s17 =	sshrl.u32 s16, $0x1;
	s7 =	sshrl.u32 s7, $0x2;
	s22 =	sshrl.u32 s19, $0x2  }
0xe: {  	[dreg:$0xe] =	wrdreg s23;
	s19 =	simm.s32 $0x3;
	s23 =	simm.s32 $0x1  }
0xf: {  	[dreg:$0x8] =	wrdreg s0;
	s0 =	ssub.s32 s16, s17;
	s18 =	sadd.s32 s7, s3  }
0x10: {  	s3 =	sadd.s32 s22, s3;
	s24 =	sadd.s32 $0x17C00, s5;
	s15 =	sadd.s32 $0xDC00, s5  }
0x11: {  	s25 =	sadd.s32 $0x3C00, s5;
	s16 =	sadd.s32 $0x21C00, s5;
	[dreg:$0x9] =	wrdreg s18  }
0x12: {  	s22 =	simm.s32 $0x5000;
	s5 =	simm.s32 $0x400;
	[dreg:$0x5] =	wrdreg s24  }
0x13: {  	s10 =	sadd.s32 $0x4000, s18;
	s20 =	sadd.s32 $0x8000, s18;
	[dreg:$0x6] =	wrdreg s25  }
0x14: {  	s21 =	sadd.s32 $0xC000, s18;
	s8 =	sadd.s32 $0x10000, s18;
	[dreg:$0xa] =	wrdreg s10  }
0x15: {  	s0 =	smax.u32 s0, $0x1;
	s18 =	simm.s32 $0x1000;
	[dreg:$0xb] =	wrdreg s20  }
.Ltmp0:
0x16: {  	s24 =	simm.s32 $0x100;
	[dreg:$0xc] =	wrdreg s21;
	(pc) =	sbr.rel .LBB2_1-.Ltmp0, $4  }
0x17: {  	s26 =	sshrl.u32 s3, $0x3;
	s3 =	simm.s32 $0x500;
	[dreg:$0xd] =	wrdreg s8  }
0x18: {  	s17 =	smov.u32 s15;
	[dreg:$0xf] =	wrdreg s0;
	s21 =	simm.s32 $0x80  }
0x19: {  	[dreg:$0x10] =	wrdreg s26;
	s26 =	simm.s32 $0x2;
	s0 =	simm.s32 $0x380  }
0x1a: {  	v0 =	vimm.f32 $0.0e+00;
	s8 =	simm.s32 $0x580;
	s10 =	simm.s32 $0x680;
	s20 =	simm.s32 $0x0  }
.LBB2_6:
0x1b: {  	s7 =	sadd.s32 s25, s15;
	[sflag:s26] =	ssyncadd.s32 $0xFFFFC000  }
0x1c: {  	[tilespmem:s4], [sflag:$0x3] =	stream.linear.gather [hbm4b:s7+s4], $0x800, $0x38;
	[tilespmem:$0x1D000] =	vst v63  }
0x1d: {  	_ =	swait.ge [sflag:s19], $0x800  }
0x1e: {  	[sflag:s19] =	ssyncset.done $0x0  }
0x1f: {  	s25 =	sadd.s32 s25, s14;
	[sflag:s19] =	ssyncadd.s32 $0xFFFFF800  }
0x20: {  	[tilespmem:s20], [sflag:$0x3] =	stream.linear.gather [hbm4b:s25+s4], $0x800, $0x38;
	[tilespmem:$0x1D000] =	vst v63  }
0x21: {  	_ =	swait.ge [sflag:s19], $0x800  }
0x22: {  	[sflag:s19] =	ssyncset.done $0x0  }
0x23: {  	[sflag:s19] =	ssyncadd.s32 $0xFFFFF800  }
0x24: {  	[tilespmem:s18], [sflag:$0x1] =	stream.indirect.gather [hbm4b:s1+s21], $0x80, s4, s21, $0xb8;
	[tilespmem:$0x1D000] =	vst v63  }
0x25: {  	_ = 	snop  }
0x26: {  	[tilespmem:s22], [sflag:$0x2] =	stream.indirect.gather [hbm4b:s1+s21], $0x80, s21, s21, $0xb8;
	[tilespmem:$0x1D000] =	vst v63  }
0x27: {  	_ =	swait.ge [sflag:s23], $0x4000  }
0x28: {  	[sflag:s23] =	ssyncset.done $0x0  }
0x29: {  	[sflag:s23] =	ssyncadd.s32 $0xFFFFC000  }
0x2a: {  	[tilespmem:s18], [sflag:$0x1] =	stream.indirect.gather [hbm4b:s1+s21], $0x80, s24, s21, $0xb8;
	[tilespmem:$0x1D000] =	vst v63  }
0x2b: {  	_ =	swait.ge [sflag:s26], $0x4000  }
0x2c: {  	[sflag:s26] =	ssyncset.done $0x0  }
0x2d: {  	[sflag:s26] =	ssyncadd.s32 $0xFFFFC000  }
0x2e: {  	[tilespmem:s22], [sflag:$0x2] =	stream.indirect.gather [hbm4b:s1+s21], $0x80, s28, s21, $0xb8;
	[tilespmem:$0x1D000] =	vst v63  }
0x2f: {  	_ =	swait.ge [sflag:s23], $0x4000  }
0x30: {  	[sflag:s23] =	ssyncset.done $0x0  }
0x31: {  	[sflag:s23] =	ssyncadd.s32 $0xFFFFC000  }
0x32: {  	[tilespmem:s18], [sflag:$0x1] =	stream.indirect.gather [hbm4b:s1+s21], $0x80, s29, s21, $0xb8;
	[tilespmem:$0x1D000] =	vst v63  }
0x33: {  	_ =	swait.ge [sflag:s26], $0x4000  }
0x34: {  	[sflag:s26] =	ssyncset.done $0x0  }
0x35: {  	[sflag:s26] =	ssyncadd.s32 $0xFFFFC000  }
0x36: {  	[tilespmem:s22], [sflag:$0x2] =	stream.indirect.gather [hbm4b:s1+s21], $0x80, s30, s21, $0xb8;
	[tilespmem:$0x1D000] =	vst v63  }
0x37: {  	_ =	swait.ge [sflag:s23], $0x4000  }
0x38: {  	[sflag:s23] =	ssyncset.done $0x0  }
0x39: {  	[sflag:s23] =	ssyncadd.s32 $0xFFFFC000  }
0x3a: {  	[tilespmem:s18], [sflag:$0x1] =	stream.indirect.gather [hbm4b:s1+s21], $0x80, s31, s21, $0xb8;
	[tilespmem:$0x1D000] =	vst v63  }
0x3b: {  	_ =	swait.ge [sflag:s26], $0x4000  }
0x3c: {  	[sflag:s26] =	ssyncset.done $0x0  }
0x3d: {  	[sflag:s26] =	ssyncadd.s32 $0xFFFFC000  }
0x3e: {  	[tilespmem:s22], [sflag:$0x2] =	stream.indirect.gather [hbm4b:s1+s21], $0x80, s0, s21, $0xb8;
	[tilespmem:$0x1D000] =	vst v63  }
0x3f: {  	_ =	swait.ge [sflag:s23], $0x4000  }
0x40: {  	[sflag:s23] =	ssyncset.done $0x0  }
0x41: {  	[sflag:s23] =	ssyncadd.s32 $0xFFFFC000  }
0x42: {  	[tilespmem:s18], [sflag:$0x1] =	stream.indirect.gather [hbm4b:s1+s21], $0x80, s5, s21, $0xb8;
	[tilespmem:$0x1D000] =	vst v63  }
0x43: {  	_ =	swait.ge [sflag:s26], $0x4000  }
0x44: {  	[sflag:s26] =	ssyncset.done $0x0  }
0x45: {  	[sflag:s26] =	ssyncadd.s32 $0xFFFFC000  }
0x46: {  	[tilespmem:s22], [sflag:$0x2] =	stream.indirect.gather [hbm4b:s1+s21], $0x80, s6, s21, $0xb8;
	[tilespmem:$0x1D000] =	vst v63  }
0x47: {  	_ =	swait.ge [sflag:s23], $0x4000  }
0x48: {  	[sflag:s23] =	ssyncset.done $0x0  }
0x49: {  	[sflag:s23] =	ssyncadd.s32 $0xFFFFC000  }
0x4a: {  	[tilespmem:s18], [sflag:$0x1] =	stream.indirect.gather [hbm4b:s1+s21], $0x80, s3, s21, $0xb8;
	[tilespmem:$0x1D000] =	vst v63  }
0x4b: {  	_ =	swait.ge [sflag:s26], $0x4000  }
0x4c: {  	[sflag:s26] =	ssyncset.done $0x0  }
0x4d: {  	[sflag:s26] =	ssyncadd.s32 $0xFFFFC000  }
0x4e: {  	[tilespmem:s22], [sflag:$0x2] =	stream.indirect.gather [hbm4b:s1+s21], $0x80, s8, s21, $0xb8;
	[tilespmem:$0x1D000] =	vst v63  }
0x4f: {  	_ =	swait.ge [sflag:s23], $0x4000  }
0x50: {  	[sflag:s23] =	ssyncset.done $0x0  }
0x51: {  	[sflag:s23] =	ssyncadd.s32 $0xFFFFC000  }
0x52: {  	[tilespmem:s18], [sflag:$0x1] =	stream.indirect.gather [hbm4b:s1+s21], $0x80, s9, s21, $0xb8;
	[tilespmem:$0x1D000] =	vst v63  }
0x53: {  	_ =	swait.ge [sflag:s26], $0x4000  }
0x54: {  	[sflag:s26] =	ssyncset.done $0x0  }
0x55: {  	[sflag:s26] =	ssyncadd.s32 $0xFFFFC000  }
0x56: {  	[tilespmem:s22], [sflag:$0x2] =	stream.indirect.gather [hbm4b:s1+s21], $0x80, s10, s21, $0xb8;
	[tilespmem:$0x1D000] =	vst v63  }
0x57: {  	_ =	swait.ge [sflag:s23], $0x4000  }
0x58: {  	[sflag:s23] =	ssyncset.done $0x0  }
0x59: {  	[sflag:s23] =	ssyncadd.s32 $0xFFFFC000  }
0x5a: {  	[tilespmem:s18], [sflag:$0x1] =	stream.indirect.gather [hbm4b:s1+s21], $0x80, s11, s21, $0xb8;
	[tilespmem:$0x1D000] =	vst v63  }
0x5b: {  	_ =	swait.ge [sflag:s26], $0x4000  }
0x5c: {  	[sflag:s26] =	ssyncset.done $0x0  }
0x5d: {  	[sflag:s26] =	ssyncadd.s32 $0xFFFFC000  }
0x5e: {  	[tilespmem:s22], [sflag:$0x2] =	stream.indirect.gather [hbm4b:s1+s21], $0x80, s12, s21, $0xb8;
	[tilespmem:$0x1D000] =	vst v63  }
0x5f: {  	_ =	swait.ge [sflag:s23], $0x4000  }
0x60: {  	[sflag:s23] =	ssyncset.done $0x0  }
0x61: {  	[sflag:s23] =	ssyncadd.s32 $0xFFFFC000  }
0x62: {  	_ =	swait.ge [sflag:s26], $0x4000  }
0x63: {  	[sflag:s26] =	ssyncset.done $0x0;
	s7 =	rddreg [dreg:$0x7]  }
0x64: {  	s20 =	rddreg [dreg:$0x11];
	[sflag:s26] =	ssyncadd.s32 $0xFFFFC000  }
.LBB2_10:
0x65: {  	s13 =	stileid.u32  }
0x66: {  	s14 =	rddreg [dreg:$0xe];
	[bflag:$0x0] =	sbarrier.arrive $0xFFFF;
	s13 =	sshll.u32 s13, $0x6  }
0x67: {  	s7 =	sadd.s32 s7, s14;
	s25 =	rddreg [dreg:$0x10];
	s13 =	sor.u32 $0x1C03, s13  }
0x68: {  	[hbm:s7], [sflag:s13] =	dma.local [spmem:s25], $0x2780  }
0x69: {  	_ =	swait.ge [sflag:s19], $0x2780  }
0x6a: {  	s20 =	sadd.s32 $0x1, s20;
	s25 =	rddreg [dreg:$0xf]  }
0x6b: {  	p1 =	sne.s32 s20, s25  }
.Ltmp1:
0x6c: {  	_ = 	snop;
	(pc) =	sbr.rel @!p1 .LBB2_11-.Ltmp1, $3  }
0x6d: {  	_ =	sdelay $0x1  }
0x6e: {  	[sflag:s19] =	ssyncset.done $0x0  }
0x6f: {  	[sflag:s19] =	ssyncadd.s32 $0xFFFFD880  }
.LBB2_1:
0x70: {  	s7 =	sand.u32 $0xFE00, s4  }
0x71: {  	[dreg:$0x11] =	wrdreg s20;
	s13 =	sand.u32 $0x70, s4;
	s25 =	sshrl.u32 s7, $0x2  }
0x72: {  	s7 =	simm.s32 $0x40;
	s13 =	sor.u32 s13, s25;
	s25 =	simm.s32 $0x0  }
.LBB2_2:
0x73: {  	p1 =	sne.s32 s7, $0xFFC0  }
0x74: {  	[tilespmem:s13+$0x1000] =	vst v0;
	s25 =	sadd.s32 $0x10, s25;
	s13 =	smov.u32 s7;
	s7 =	sadd.s32 $0x40, s7  }
.Ltmp2:
0x75: {  	(pc) =	sbr.rel @p1 .LBB2_2-.Ltmp2, $4  }
0x76: {  	_ = 	snop  }
0x77: {  	s13 =	sand.u32 $0xFE00, s13  }
0x78: {  	s14 =	sand.u32 $0x70, s25;
	s13 =	sshrl.u32 s13, $0x2  }
0x79: {  	s13 =	sor.u32 s14, s13  }
0x7a: {  	[tilespmem:s13+$0x1000] =	vst v0;
	s7 =	rddreg [dreg:$0x9]  }
0x7b: {  	[spmem:s7] =	stream.linear.scatter [tilespmem:s18], [sflag:$0x3], $0x4000, $0x38;
	[tilespmem:$0x1D000] =	vst v63  }
0x7c: {  	_ =	swait.ge [sflag:s19], $0x4000  }
0x7d: {  	[sflag:s19] =	ssyncset.done $0x0  }
0x7e: {  	s13 =	rddreg [dreg:$0xa];
	[sflag:s19] =	ssyncadd.s32 $0xFFFFC000  }
0x7f: {  	[spmem:s13] =	stream.linear.scatter [tilespmem:s18], [sflag:$0x3], $0x4000, $0x38;
	[tilespmem:$0x1D000] =	vst v63  }
0x80: {  	_ =	swait.ge [sflag:s19], $0x4000  }
0x81: {  	[sflag:s19] =	ssyncset.done $0x0  }
0x82: {  	s14 =	rddreg [dreg:$0xb];
	[sflag:s19] =	ssyncadd.s32 $0xFFFFC000  }
0x83: {  	[spmem:s14] =	stream.linear.scatter [tilespmem:s18], [sflag:$0x3], $0x4000, $0x38;
	[tilespmem:$0x1D000] =	vst v63  }
0x84: {  	_ =	swait.ge [sflag:s19], $0x4000  }
0x85: {  	[sflag:s19] =	ssyncset.done $0x0  }
0x86: {  	s20 =	rddreg [dreg:$0xc];
	[sflag:s19] =	ssyncadd.s32 $0xFFFFC000  }
0x87: {  	[spmem:s20] =	stream.linear.scatter [tilespmem:s18], [sflag:$0x3], $0x4000, $0x38;
	[tilespmem:$0x1D000] =	vst v63  }
0x88: {  	_ =	swait.ge [sflag:s19], $0x4000  }
0x89: {  	[sflag:s19] =	ssyncset.done $0x0  }
0x8a: {  	s25 =	rddreg [dreg:$0xd];
	[sflag:s19] =	ssyncadd.s32 $0xFFFFC000  }
0x8b: {  	[spmem:s25] =	stream.linear.scatter [tilespmem:s18], [sflag:$0x3], $0x4000, $0x38;
	[tilespmem:$0x1D000] =	vst v63  }
.Ltmp3:
0x8c: {  	_ =	swait.ge [sflag:s19], $0x4000;
	(pc) =	sbr.rel @!p0 .LBB2_4-.Ltmp3, $3  }
0x8d: {  	[sflag:s19] =	ssyncset.done $0x0  }
0x8e: {  	[sflag:s19] =	ssyncadd.s32 $0xFFFFC000  }
0x8f: {  	[bflag:$0x0] =	sbarrier.arrive $0xFFFF;
	_ =	sdelay $0x1  }
0x90: {  	s7 =	sadd.s32 $0x0, s16  }
0x91: {  	[tilespmem:s4], [sflag:$0x3] =	stream.linear.gather [hbm4b:s7+s4], $0x800, $0x38;
	[tilespmem:$0x1D000] =	vst v63  }
0x92: {  	_ =	swait.ge [sflag:s19], $0x800  }
0x93: {  	[sflag:s19] =	ssyncset.done $0x0;
	s25 =	rddreg [dreg:$0x6]  }
0x94: {  	s20 =	simm.s32 $0x800;
	[sflag:s19] =	ssyncadd.s32 $0xFFFFF800;
	s7 =	sadd.s32 $0x0, s25  }
0x95: {  	[tilespmem:s20], [sflag:$0x3] =	stream.linear.gather [hbm4b:s7+s4], $0x800, $0x38;
	[tilespmem:$0x1D000] =	vst v63  }
0x96: {  	_ =	swait.ge [sflag:s19], $0x800  }
0x97: {  	[sflag:s19] =	ssyncset.done $0x0  }
0x98: {  	[sflag:s19] =	ssyncadd.s32 $0xFFFFF800  }
0x99: {  	[tilespmem:s18], [sflag:$0x1] =	stream.indirect.gather [hbm4b:s2+s21], $0x80, s4, s21, $0xb8;
	[tilespmem:$0x1D000] =	vst v63  }
0x9a: {  	_ = 	snop  }
0x9b: {  	[tilespmem:s22], [sflag:$0x2] =	stream.indirect.gather [hbm4b:s2+s21], $0x80, s21, s21, $0xb8;
	[tilespmem:$0x1D000] =	vst v63  }
0x9c: {  	_ =	swait.ge [sflag:s23], $0x4000  }
0x9d: {  	[sflag:s23] =	ssyncset.done $0x0  }
0x9e: {  	[sflag:s23] =	ssyncadd.s32 $0xFFFFC000  }
0x9f: {  	[tilespmem:s18], [sflag:$0x1] =	stream.indirect.gather [hbm4b:s2+s21], $0x80, s24, s21, $0xb8;
	[tilespmem:$0x1D000] =	vst v63  }
0xa0: {  	_ =	swait.ge [sflag:s26], $0x4000  }
0xa1: {  	[sflag:s26] =	ssyncset.done $0x0  }
0xa2: {  	[sflag:s26] =	ssyncadd.s32 $0xFFFFC000  }
0xa3: {  	[tilespmem:s22], [sflag:$0x2] =	stream.indirect.gather [hbm4b:s2+s21], $0x80, s28, s21, $0xb8;
	[tilespmem:$0x1D000] =	vst v63  }
0xa4: {  	_ =	swait.ge [sflag:s23], $0x4000  }
0xa5: {  	[sflag:s23] =	ssyncset.done $0x0  }
0xa6: {  	[sflag:s23] =	ssyncadd.s32 $0xFFFFC000  }
0xa7: {  	[tilespmem:s18], [sflag:$0x1] =	stream.indirect.gather [hbm4b:s2+s21], $0x80, s29, s21, $0xb8;
	[tilespmem:$0x1D000] =	vst v63  }
0xa8: {  	_ =	swait.ge [sflag:s26], $0x4000  }
0xa9: {  	[sflag:s26] =	ssyncset.done $0x0  }
0xaa: {  	[sflag:s26] =	ssyncadd.s32 $0xFFFFC000  }
0xab: {  	[tilespmem:s22], [sflag:$0x2] =	stream.indirect.gather [hbm4b:s2+s21], $0x80, s30, s21, $0xb8;
	[tilespmem:$0x1D000] =	vst v63  }
0xac: {  	_ =	swait.ge [sflag:s23], $0x4000  }
0xad: {  	[sflag:s23] =	ssyncset.done $0x0  }
0xae: {  	[sflag:s23] =	ssyncadd.s32 $0xFFFFC000  }
0xaf: {  	[tilespmem:s18], [sflag:$0x1] =	stream.indirect.gather [hbm4b:s2+s21], $0x80, s31, s21, $0xb8;
	[tilespmem:$0x1D000] =	vst v63  }
0xb0: {  	_ =	swait.ge [sflag:s26], $0x4000  }
0xb1: {  	[sflag:s26] =	ssyncset.done $0x0  }
0xb2: {  	[sflag:s26] =	ssyncadd.s32 $0xFFFFC000  }
0xb3: {  	[tilespmem:s22], [sflag:$0x2] =	stream.indirect.gather [hbm4b:s2+s21], $0x80, s0, s21, $0xb8;
	[tilespmem:$0x1D000] =	vst v63  }
0xb4: {  	_ =	swait.ge [sflag:s23], $0x4000  }
0xb5: {  	[sflag:s23] =	ssyncset.done $0x0  }
0xb6: {  	[sflag:s23] =	ssyncadd.s32 $0xFFFFC000  }
0xb7: {  	[tilespmem:s18], [sflag:$0x1] =	stream.indirect.gather [hbm4b:s2+s21], $0x80, s5, s21, $0xb8;
	[tilespmem:$0x1D000] =	vst v63  }
0xb8: {  	_ =	swait.ge [sflag:s26], $0x4000  }
0xb9: {  	[sflag:s26] =	ssyncset.done $0x0  }
0xba: {  	[sflag:s26] =	ssyncadd.s32 $0xFFFFC000  }
0xbb: {  	[tilespmem:s22], [sflag:$0x2] =	stream.indirect.gather [hbm4b:s2+s21], $0x80, s6, s21, $0xb8;
	[tilespmem:$0x1D000] =	vst v63  }
0xbc: {  	_ =	swait.ge [sflag:s23], $0x4000  }
0xbd: {  	[sflag:s23] =	ssyncset.done $0x0  }
0xbe: {  	[sflag:s23] =	ssyncadd.s32 $0xFFFFC000  }
0xbf: {  	[tilespmem:s18], [sflag:$0x1] =	stream.indirect.gather [hbm4b:s2+s21], $0x80, s3, s21, $0xb8;
	[tilespmem:$0x1D000] =	vst v63  }
0xc0: {  	_ =	swait.ge [sflag:s26], $0x4000  }
0xc1: {  	[sflag:s26] =	ssyncset.done $0x0  }
0xc2: {  	[sflag:s26] =	ssyncadd.s32 $0xFFFFC000  }
0xc3: {  	[tilespmem:s22], [sflag:$0x2] =	stream.indirect.gather [hbm4b:s2+s21], $0x80, s8, s21, $0xb8;
	[tilespmem:$0x1D000] =	vst v63  }
0xc4: {  	_ =	swait.ge [sflag:s23], $0x4000  }
0xc5: {  	[sflag:s23] =	ssyncset.done $0x0  }
0xc6: {  	[sflag:s23] =	ssyncadd.s32 $0xFFFFC000  }
0xc7: {  	[tilespmem:s18], [sflag:$0x1] =	stream.indirect.gather [hbm4b:s2+s21], $0x80, s9, s21, $0xb8;
	[tilespmem:$0x1D000] =	vst v63  }
0xc8: {  	_ =	swait.ge [sflag:s26], $0x4000  }
0xc9: {  	[sflag:s26] =	ssyncset.done $0x0  }
0xca: {  	[sflag:s26] =	ssyncadd.s32 $0xFFFFC000  }
0xcb: {  	[tilespmem:s22], [sflag:$0x2] =	stream.indirect.gather [hbm4b:s2+s21], $0x80, s10, s21, $0xb8;
	[tilespmem:$0x1D000] =	vst v63  }
0xcc: {  	_ =	swait.ge [sflag:s23], $0x4000  }
0xcd: {  	[sflag:s23] =	ssyncset.done $0x0  }
0xce: {  	[sflag:s23] =	ssyncadd.s32 $0xFFFFC000  }
0xcf: {  	[tilespmem:s18], [sflag:$0x1] =	stream.indirect.gather [hbm4b:s2+s21], $0x80, s11, s21, $0xb8;
	[tilespmem:$0x1D000] =	vst v63  }
0xd0: {  	_ =	swait.ge [sflag:s26], $0x4000  }
0xd1: {  	[sflag:s26] =	ssyncset.done $0x0  }
0xd2: {  	[sflag:s26] =	ssyncadd.s32 $0xFFFFC000  }
0xd3: {  	[tilespmem:s22], [sflag:$0x2] =	stream.indirect.gather [hbm4b:s2+s21], $0x80, s12, s21, $0xb8;
	[tilespmem:$0x1D000] =	vst v63  }
0xd4: {  	_ =	swait.ge [sflag:s23], $0x4000  }
0xd5: {  	[sflag:s23] =	ssyncset.done $0x0  }
0xd6: {  	[sflag:s23] =	ssyncadd.s32 $0xFFFFC000  }
0xd7: {  	s15 =	smov.u32 s16;
	_ =	swait.ge [sflag:s26], $0x4000  }
0xd8: {  	s13 =	simm.s32 $0x200;
	s25 =	simm.s32 $0x100;
	[sflag:s26] =	ssyncset.done $0x0  }
.LBB2_8:
0xd9: {  	s14 =	sadd.s32 s25, s15;
	[sflag:s26] =	ssyncadd.s32 $0xFFFFC000  }
0xda: {  	[tilespmem:s4], [sflag:$0x3] =	stream.linear.gather [hbm4b:s14+s4], $0x800, $0x38;
	[tilespmem:$0x1D000] =	vst v63  }
0xdb: {  	s14 =	rddreg [dreg:$0x6];
	_ =	swait.ge [sflag:s19], $0x800  }
0xdc: {  	s15 =	smov.u32 s13;
	s7 =	sadd.s32 $0x100, s13;
	[sflag:s19] =	ssyncset.done $0x0  }
0xdd: {  	p1 =	sne.s32 s13, $0x900;
	s13 =	sadd.s32 s25, s14;
	[sflag:s19] =	ssyncadd.s32 $0xFFFFF800  }
0xde: {  	[tilespmem:s20], [sflag:$0x3] =	stream.linear.gather [hbm4b:s13+s4], $0x800, $0x38;
	[tilespmem:$0x1D000] =	vst v63  }
0xdf: {  	_ =	swait.ge [sflag:s19], $0x800  }
0xe0: {  	[sflag:s19] =	ssyncset.done $0x0  }
0xe1: {  	[sflag:s19] =	ssyncadd.s32 $0xFFFFF800  }
0xe2: {  	[tilespmem:s18], [sflag:$0x1] =	stream.indirect.gather [hbm4b:s2+s21], $0x80, s4, s21, $0xb8;
	[tilespmem:$0x1D000] =	vst v63  }
0xe3: {  	_ = 	snop  }
0xe4: {  	[tilespmem:s22], [sflag:$0x2] =	stream.indirect.gather [hbm4b:s2+s21], $0x80, s21, s21, $0xb8;
	[tilespmem:$0x1D000] =	vst v63  }
0xe5: {  	_ =	swait.ge [sflag:s23], $0x4000  }
0xe6: {  	[sflag:s23] =	ssyncset.done $0x0  }
0xe7: {  	[sflag:s23] =	ssyncadd.s32 $0xFFFFC000  }
0xe8: {  	[tilespmem:s18], [sflag:$0x1] =	stream.indirect.gather [hbm4b:s2+s21], $0x80, s24, s21, $0xb8;
	[tilespmem:$0x1D000] =	vst v63  }
0xe9: {  	_ =	swait.ge [sflag:s26], $0x4000  }
0xea: {  	[sflag:s26] =	ssyncset.done $0x0  }
0xeb: {  	[sflag:s26] =	ssyncadd.s32 $0xFFFFC000  }
0xec: {  	[tilespmem:s22], [sflag:$0x2] =	stream.indirect.gather [hbm4b:s2+s21], $0x80, s28, s21, $0xb8;
	[tilespmem:$0x1D000] =	vst v63  }
0xed: {  	_ =	swait.ge [sflag:s23], $0x4000  }
0xee: {  	[sflag:s23] =	ssyncset.done $0x0  }
0xef: {  	[sflag:s23] =	ssyncadd.s32 $0xFFFFC000  }
0xf0: {  	[tilespmem:s18], [sflag:$0x1] =	stream.indirect.gather [hbm4b:s2+s21], $0x80, s29, s21, $0xb8;
	[tilespmem:$0x1D000] =	vst v63  }
0xf1: {  	_ =	swait.ge [sflag:s26], $0x4000  }
0xf2: {  	[sflag:s26] =	ssyncset.done $0x0  }
0xf3: {  	[sflag:s26] =	ssyncadd.s32 $0xFFFFC000  }
0xf4: {  	[tilespmem:s22], [sflag:$0x2] =	stream.indirect.gather [hbm4b:s2+s21], $0x80, s30, s21, $0xb8;
	[tilespmem:$0x1D000] =	vst v63  }
0xf5: {  	_ =	swait.ge [sflag:s23], $0x4000  }
0xf6: {  	[sflag:s23] =	ssyncset.done $0x0  }
0xf7: {  	[sflag:s23] =	ssyncadd.s32 $0xFFFFC000  }
0xf8: {  	[tilespmem:s18], [sflag:$0x1] =	stream.indirect.gather [hbm4b:s2+s21], $0x80, s31, s21, $0xb8;
	[tilespmem:$0x1D000] =	vst v63  }
0xf9: {  	_ =	swait.ge [sflag:s26], $0x4000  }
0xfa: {  	[sflag:s26] =	ssyncset.done $0x0  }
0xfb: {  	[sflag:s26] =	ssyncadd.s32 $0xFFFFC000  }
0xfc: {  	[tilespmem:s22], [sflag:$0x2] =	stream.indirect.gather [hbm4b:s2+s21], $0x80, s0, s21, $0xb8;
	[tilespmem:$0x1D000] =	vst v63  }
0xfd: {  	_ =	swait.ge [sflag:s23], $0x4000  }
0xfe: {  	[sflag:s23] =	ssyncset.done $0x0  }
0xff: {  	[sflag:s23] =	ssyncadd.s32 $0xFFFFC000  }
0x100: {  	[tilespmem:s18], [sflag:$0x1] =	stream.indirect.gather [hbm4b:s2+s21], $0x80, s5, s21, $0xb8;
	[tilespmem:$0x1D000] =	vst v63  }
0x101: {  	_ =	swait.ge [sflag:s26], $0x4000  }
0x102: {  	[sflag:s26] =	ssyncset.done $0x0  }
0x103: {  	[sflag:s26] =	ssyncadd.s32 $0xFFFFC000  }
0x104: {  	[tilespmem:s22], [sflag:$0x2] =	stream.indirect.gather [hbm4b:s2+s21], $0x80, s6, s21, $0xb8;
	[tilespmem:$0x1D000] =	vst v63  }
0x105: {  	_ =	swait.ge [sflag:s23], $0x4000  }
0x106: {  	[sflag:s23] =	ssyncset.done $0x0  }
0x107: {  	[sflag:s23] =	ssyncadd.s32 $0xFFFFC000  }
0x108: {  	[tilespmem:s18], [sflag:$0x1] =	stream.indirect.gather [hbm4b:s2+s21], $0x80, s3, s21, $0xb8;
	[tilespmem:$0x1D000] =	vst v63  }
0x109: {  	_ =	swait.ge [sflag:s26], $0x4000  }
0x10a: {  	[sflag:s26] =	ssyncset.done $0x0  }
0x10b: {  	[sflag:s26] =	ssyncadd.s32 $0xFFFFC000  }
0x10c: {  	[tilespmem:s22], [sflag:$0x2] =	stream.indirect.gather [hbm4b:s2+s21], $0x80, s8, s21, $0xb8;
	[tilespmem:$0x1D000] =	vst v63  }
0x10d: {  	_ =	swait.ge [sflag:s23], $0x4000  }
0x10e: {  	[sflag:s23] =	ssyncset.done $0x0  }
0x10f: {  	[sflag:s23] =	ssyncadd.s32 $0xFFFFC000  }
0x110: {  	[tilespmem:s18], [sflag:$0x1] =	stream.indirect.gather [hbm4b:s2+s21], $0x80, s9, s21, $0xb8;
	[tilespmem:$0x1D000] =	vst v63  }
0x111: {  	_ =	swait.ge [sflag:s26], $0x4000  }
0x112: {  	[sflag:s26] =	ssyncset.done $0x0  }
0x113: {  	[sflag:s26] =	ssyncadd.s32 $0xFFFFC000  }
0x114: {  	[tilespmem:s22], [sflag:$0x2] =	stream.indirect.gather [hbm4b:s2+s21], $0x80, s10, s21, $0xb8;
	[tilespmem:$0x1D000] =	vst v63  }
0x115: {  	_ =	swait.ge [sflag:s23], $0x4000  }
0x116: {  	[sflag:s23] =	ssyncset.done $0x0  }
0x117: {  	[sflag:s23] =	ssyncadd.s32 $0xFFFFC000  }
0x118: {  	[tilespmem:s18], [sflag:$0x1] =	stream.indirect.gather [hbm4b:s2+s21], $0x80, s11, s21, $0xb8;
	[tilespmem:$0x1D000] =	vst v63  }
0x119: {  	_ =	swait.ge [sflag:s26], $0x4000  }
0x11a: {  	[sflag:s26] =	ssyncset.done $0x0  }
0x11b: {  	[sflag:s26] =	ssyncadd.s32 $0xFFFFC000  }
0x11c: {  	[tilespmem:s22], [sflag:$0x2] =	stream.indirect.gather [hbm4b:s2+s21], $0x80, s12, s21, $0xb8;
	[tilespmem:$0x1D000] =	vst v63  }
.Ltmp4:
0x11d: {  	_ =	swait.ge [sflag:s23], $0x4000;
	(pc) =	sbr.rel @p1 .LBB2_8-.Ltmp4, $4  }
0x11e: {  	[sflag:s23] =	ssyncset.done $0x0  }
0x11f: {  	[sflag:s23] =	ssyncadd.s32 $0xFFFFC000  }
0x120: {  	s25 =	smov.u32 s15;
	_ =	swait.ge [sflag:s26], $0x4000  }
0x121: {  	s15 =	smov.u32 s16;
	s13 =	smov.u32 s7;
	[sflag:s26] =	ssyncset.done $0x0  }
0x122: {  	s7 =	sadd.s32 s25, s15;
	[sflag:s26] =	ssyncadd.s32 $0xFFFFC000  }
0x123: {  	[tilespmem:s4], [sflag:$0x3] =	stream.linear.gather [hbm4b:s7+s4], $0x800, $0x38;
	[tilespmem:$0x1D000] =	vst v63  }
0x124: {  	_ =	swait.ge [sflag:s19], $0x800  }
0x125: {  	[sflag:s19] =	ssyncset.done $0x0  }
0x126: {  	s25 =	sadd.s32 s25, s14;
	[sflag:s19] =	ssyncadd.s32 $0xFFFFF800  }
0x127: {  	[tilespmem:s20], [sflag:$0x3] =	stream.linear.gather [hbm4b:s25+s4], $0x800, $0x38;
	[tilespmem:$0x1D000] =	vst v63  }
0x128: {  	_ =	swait.ge [sflag:s19], $0x800  }
0x129: {  	[sflag:s19] =	ssyncset.done $0x0  }
0x12a: {  	[sflag:s19] =	ssyncadd.s32 $0xFFFFF800  }
0x12b: {  	[tilespmem:s18], [sflag:$0x1] =	stream.indirect.gather [hbm4b:s2+s21], $0x80, s4, s21, $0xb8;
	[tilespmem:$0x1D000] =	vst v63  }
0x12c: {  	_ = 	snop  }
0x12d: {  	[tilespmem:s22], [sflag:$0x2] =	stream.indirect.gather [hbm4b:s2+s21], $0x80, s21, s21, $0xb8;
	[tilespmem:$0x1D000] =	vst v63  }
0x12e: {  	_ =	swait.ge [sflag:s23], $0x4000  }
0x12f: {  	[sflag:s23] =	ssyncset.done $0x0  }
0x130: {  	[sflag:s23] =	ssyncadd.s32 $0xFFFFC000  }
0x131: {  	[tilespmem:s18], [sflag:$0x1] =	stream.indirect.gather [hbm4b:s2+s21], $0x80, s24, s21, $0xb8;
	[tilespmem:$0x1D000] =	vst v63  }
0x132: {  	_ =	swait.ge [sflag:s26], $0x4000  }
0x133: {  	[sflag:s26] =	ssyncset.done $0x0  }
0x134: {  	[sflag:s26] =	ssyncadd.s32 $0xFFFFC000  }
0x135: {  	[tilespmem:s22], [sflag:$0x2] =	stream.indirect.gather [hbm4b:s2+s21], $0x80, s28, s21, $0xb8;
	[tilespmem:$0x1D000] =	vst v63  }
0x136: {  	_ =	swait.ge [sflag:s23], $0x4000  }
0x137: {  	[sflag:s23] =	ssyncset.done $0x0  }
0x138: {  	[sflag:s23] =	ssyncadd.s32 $0xFFFFC000  }
0x139: {  	[tilespmem:s18], [sflag:$0x1] =	stream.indirect.gather [hbm4b:s2+s21], $0x80, s29, s21, $0xb8;
	[tilespmem:$0x1D000] =	vst v63  }
0x13a: {  	_ =	swait.ge [sflag:s26], $0x4000  }
0x13b: {  	[sflag:s26] =	ssyncset.done $0x0  }
0x13c: {  	[sflag:s26] =	ssyncadd.s32 $0xFFFFC000  }
0x13d: {  	[tilespmem:s22], [sflag:$0x2] =	stream.indirect.gather [hbm4b:s2+s21], $0x80, s30, s21, $0xb8;
	[tilespmem:$0x1D000] =	vst v63  }
0x13e: {  	_ =	swait.ge [sflag:s23], $0x4000  }
0x13f: {  	[sflag:s23] =	ssyncset.done $0x0  }
0x140: {  	[sflag:s23] =	ssyncadd.s32 $0xFFFFC000  }
0x141: {  	[tilespmem:s18], [sflag:$0x1] =	stream.indirect.gather [hbm4b:s2+s21], $0x80, s31, s21, $0xb8;
	[tilespmem:$0x1D000] =	vst v63  }
0x142: {  	_ =	swait.ge [sflag:s26], $0x4000  }
0x143: {  	[sflag:s26] =	ssyncset.done $0x0  }
0x144: {  	[sflag:s26] =	ssyncadd.s32 $0xFFFFC000  }
0x145: {  	[tilespmem:s22], [sflag:$0x2] =	stream.indirect.gather [hbm4b:s2+s21], $0x80, s0, s21, $0xb8;
	[tilespmem:$0x1D000] =	vst v63  }
0x146: {  	_ =	swait.ge [sflag:s23], $0x4000  }
0x147: {  	[sflag:s23] =	ssyncset.done $0x0  }
0x148: {  	[sflag:s23] =	ssyncadd.s32 $0xFFFFC000  }
0x149: {  	[tilespmem:s18], [sflag:$0x1] =	stream.indirect.gather [hbm4b:s2+s21], $0x80, s5, s21, $0xb8;
	[tilespmem:$0x1D000] =	vst v63  }
0x14a: {  	_ =	swait.ge [sflag:s26], $0x4000  }
0x14b: {  	[sflag:s26] =	ssyncset.done $0x0  }
0x14c: {  	[sflag:s26] =	ssyncadd.s32 $0xFFFFC000  }
0x14d: {  	[tilespmem:s22], [sflag:$0x2] =	stream.indirect.gather [hbm4b:s2+s21], $0x80, s6, s21, $0xb8;
	[tilespmem:$0x1D000] =	vst v63  }
0x14e: {  	_ =	swait.ge [sflag:s23], $0x4000  }
0x14f: {  	[sflag:s23] =	ssyncset.done $0x0  }
0x150: {  	[sflag:s23] =	ssyncadd.s32 $0xFFFFC000  }
0x151: {  	[tilespmem:s18], [sflag:$0x1] =	stream.indirect.gather [hbm4b:s2+s21], $0x80, s3, s21, $0xb8;
	[tilespmem:$0x1D000] =	vst v63  }
0x152: {  	_ =	swait.ge [sflag:s26], $0x4000  }
0x153: {  	[sflag:s26] =	ssyncset.done $0x0  }
0x154: {  	[sflag:s26] =	ssyncadd.s32 $0xFFFFC000  }
0x155: {  	[tilespmem:s22], [sflag:$0x2] =	stream.indirect.gather [hbm4b:s2+s21], $0x80, s8, s21, $0xb8;
	[tilespmem:$0x1D000] =	vst v63  }
0x156: {  	_ =	swait.ge [sflag:s23], $0x4000  }
0x157: {  	[sflag:s23] =	ssyncset.done $0x0  }
0x158: {  	[sflag:s23] =	ssyncadd.s32 $0xFFFFC000  }
0x159: {  	[tilespmem:s18], [sflag:$0x1] =	stream.indirect.gather [hbm4b:s2+s21], $0x80, s9, s21, $0xb8;
	[tilespmem:$0x1D000] =	vst v63  }
0x15a: {  	_ =	swait.ge [sflag:s26], $0x4000  }
0x15b: {  	[sflag:s26] =	ssyncset.done $0x0  }
0x15c: {  	[sflag:s26] =	ssyncadd.s32 $0xFFFFC000  }
0x15d: {  	[tilespmem:s22], [sflag:$0x2] =	stream.indirect.gather [hbm4b:s2+s21], $0x80, s10, s21, $0xb8;
	[tilespmem:$0x1D000] =	vst v63  }
0x15e: {  	_ =	swait.ge [sflag:s23], $0x4000  }
0x15f: {  	[sflag:s23] =	ssyncset.done $0x0  }
0x160: {  	[sflag:s23] =	ssyncadd.s32 $0xFFFFC000  }
0x161: {  	[tilespmem:s18], [sflag:$0x1] =	stream.indirect.gather [hbm4b:s2+s21], $0x80, s11, s21, $0xb8;
	[tilespmem:$0x1D000] =	vst v63  }
0x162: {  	_ =	swait.ge [sflag:s26], $0x4000  }
0x163: {  	[sflag:s26] =	ssyncset.done $0x0  }
0x164: {  	[sflag:s26] =	ssyncadd.s32 $0xFFFFC000  }
0x165: {  	[tilespmem:s22], [sflag:$0x2] =	stream.indirect.gather [hbm4b:s2+s21], $0x80, s12, s21, $0xb8;
	[tilespmem:$0x1D000] =	vst v63  }
0x166: {  	_ =	swait.ge [sflag:s23], $0x4000  }
.Ltmp5:
0x167: {  	[sflag:s23] =	ssyncset.done $0x0;
	(pc) =	sbr.rel .LBB2_10-.Ltmp5, $4  }
0x168: {  	[sflag:s23] =	ssyncadd.s32 $0xFFFFC000  }
0x169: {  	_ =	swait.ge [sflag:s26], $0x4000  }
0x16a: {  	[sflag:s26] =	ssyncset.done $0x0;
	s7 =	rddreg [dreg:$0x8]  }
0x16b: {  	s15 =	smov.u32 s17;
	s20 =	rddreg [dreg:$0x11];
	[sflag:s26] =	ssyncadd.s32 $0xFFFFC000  }
.LBB2_4:
0x16c: {  	s7 =	sadd.s32 $0x0, s15  }
0x16d: {  	[tilespmem:s4], [sflag:$0x3] =	stream.linear.gather [hbm4b:s7+s4], $0x800, $0x38;
	[tilespmem:$0x1D000] =	vst v63  }
0x16e: {  	_ =	swait.ge [sflag:s19], $0x800  }
0x16f: {  	[sflag:s19] =	ssyncset.done $0x0;
	s25 =	rddreg [dreg:$0x5]  }
0x170: {  	s20 =	simm.s32 $0x800;
	[sflag:s19] =	ssyncadd.s32 $0xFFFFF800;
	s7 =	sadd.s32 $0x0, s25  }
0x171: {  	[tilespmem:s20], [sflag:$0x3] =	stream.linear.gather [hbm4b:s7+s4], $0x800, $0x38;
	[tilespmem:$0x1D000] =	vst v63  }
0x172: {  	_ =	swait.ge [sflag:s19], $0x800  }
0x173: {  	[sflag:s19] =	ssyncset.done $0x0  }
0x174: {  	[sflag:s19] =	ssyncadd.s32 $0xFFFFF800  }
0x175: {  	[tilespmem:s18], [sflag:$0x1] =	stream.indirect.gather [hbm4b:s1+s21], $0x80, s4, s21, $0xb8;
	[tilespmem:$0x1D000] =	vst v63  }
0x176: {  	_ = 	snop  }
0x177: {  	[tilespmem:s22], [sflag:$0x2] =	stream.indirect.gather [hbm4b:s1+s21], $0x80, s21, s21, $0xb8;
	[tilespmem:$0x1D000] =	vst v63  }
0x178: {  	_ =	swait.ge [sflag:s23], $0x4000  }
0x179: {  	[sflag:s23] =	ssyncset.done $0x0  }
0x17a: {  	[sflag:s23] =	ssyncadd.s32 $0xFFFFC000  }
0x17b: {  	[tilespmem:s18], [sflag:$0x1] =	stream.indirect.gather [hbm4b:s1+s21], $0x80, s24, s21, $0xb8;
	[tilespmem:$0x1D000] =	vst v63  }
0x17c: {  	_ =	swait.ge [sflag:s26], $0x4000  }
0x17d: {  	[sflag:s26] =	ssyncset.done $0x0  }
0x17e: {  	[sflag:s26] =	ssyncadd.s32 $0xFFFFC000  }
0x17f: {  	[tilespmem:s22], [sflag:$0x2] =	stream.indirect.gather [hbm4b:s1+s21], $0x80, s28, s21, $0xb8;
	[tilespmem:$0x1D000] =	vst v63  }
0x180: {  	_ =	swait.ge [sflag:s23], $0x4000  }
0x181: {  	[sflag:s23] =	ssyncset.done $0x0  }
0x182: {  	[sflag:s23] =	ssyncadd.s32 $0xFFFFC000  }
0x183: {  	[tilespmem:s18], [sflag:$0x1] =	stream.indirect.gather [hbm4b:s1+s21], $0x80, s29, s21, $0xb8;
	[tilespmem:$0x1D000] =	vst v63  }
0x184: {  	_ =	swait.ge [sflag:s26], $0x4000  }
0x185: {  	[sflag:s26] =	ssyncset.done $0x0  }
0x186: {  	[sflag:s26] =	ssyncadd.s32 $0xFFFFC000  }
0x187: {  	[tilespmem:s22], [sflag:$0x2] =	stream.indirect.gather [hbm4b:s1+s21], $0x80, s30, s21, $0xb8;
	[tilespmem:$0x1D000] =	vst v63  }
0x188: {  	_ =	swait.ge [sflag:s23], $0x4000  }
0x189: {  	[sflag:s23] =	ssyncset.done $0x0  }
0x18a: {  	[sflag:s23] =	ssyncadd.s32 $0xFFFFC000  }
0x18b: {  	[tilespmem:s18], [sflag:$0x1] =	stream.indirect.gather [hbm4b:s1+s21], $0x80, s31, s21, $0xb8;
	[tilespmem:$0x1D000] =	vst v63  }
0x18c: {  	_ =	swait.ge [sflag:s26], $0x4000  }
0x18d: {  	[sflag:s26] =	ssyncset.done $0x0  }
0x18e: {  	[sflag:s26] =	ssyncadd.s32 $0xFFFFC000  }
0x18f: {  	[tilespmem:s22], [sflag:$0x2] =	stream.indirect.gather [hbm4b:s1+s21], $0x80, s0, s21, $0xb8;
	[tilespmem:$0x1D000] =	vst v63  }
0x190: {  	_ =	swait.ge [sflag:s23], $0x4000  }
0x191: {  	[sflag:s23] =	ssyncset.done $0x0  }
0x192: {  	[sflag:s23] =	ssyncadd.s32 $0xFFFFC000  }
0x193: {  	[tilespmem:s18], [sflag:$0x1] =	stream.indirect.gather [hbm4b:s1+s21], $0x80, s5, s21, $0xb8;
	[tilespmem:$0x1D000] =	vst v63  }
0x194: {  	_ =	swait.ge [sflag:s26], $0x4000  }
0x195: {  	[sflag:s26] =	ssyncset.done $0x0  }
0x196: {  	[sflag:s26] =	ssyncadd.s32 $0xFFFFC000  }
0x197: {  	[tilespmem:s22], [sflag:$0x2] =	stream.indirect.gather [hbm4b:s1+s21], $0x80, s6, s21, $0xb8;
	[tilespmem:$0x1D000] =	vst v63  }
0x198: {  	_ =	swait.ge [sflag:s23], $0x4000  }
0x199: {  	[sflag:s23] =	ssyncset.done $0x0  }
0x19a: {  	[sflag:s23] =	ssyncadd.s32 $0xFFFFC000  }
0x19b: {  	[tilespmem:s18], [sflag:$0x1] =	stream.indirect.gather [hbm4b:s1+s21], $0x80, s3, s21, $0xb8;
	[tilespmem:$0x1D000] =	vst v63  }
0x19c: {  	_ =	swait.ge [sflag:s26], $0x4000  }
0x19d: {  	[sflag:s26] =	ssyncset.done $0x0  }
0x19e: {  	[sflag:s26] =	ssyncadd.s32 $0xFFFFC000  }
0x19f: {  	[tilespmem:s22], [sflag:$0x2] =	stream.indirect.gather [hbm4b:s1+s21], $0x80, s8, s21, $0xb8;
	[tilespmem:$0x1D000] =	vst v63  }
0x1a0: {  	_ =	swait.ge [sflag:s23], $0x4000  }
0x1a1: {  	[sflag:s23] =	ssyncset.done $0x0  }
0x1a2: {  	[sflag:s23] =	ssyncadd.s32 $0xFFFFC000  }
0x1a3: {  	[tilespmem:s18], [sflag:$0x1] =	stream.indirect.gather [hbm4b:s1+s21], $0x80, s9, s21, $0xb8;
	[tilespmem:$0x1D000] =	vst v63  }
0x1a4: {  	_ =	swait.ge [sflag:s26], $0x4000  }
0x1a5: {  	[sflag:s26] =	ssyncset.done $0x0  }
0x1a6: {  	[sflag:s26] =	ssyncadd.s32 $0xFFFFC000  }
0x1a7: {  	[tilespmem:s22], [sflag:$0x2] =	stream.indirect.gather [hbm4b:s1+s21], $0x80, s10, s21, $0xb8;
	[tilespmem:$0x1D000] =	vst v63  }
0x1a8: {  	_ =	swait.ge [sflag:s23], $0x4000  }
0x1a9: {  	[sflag:s23] =	ssyncset.done $0x0  }
0x1aa: {  	[sflag:s23] =	ssyncadd.s32 $0xFFFFC000  }
0x1ab: {  	[tilespmem:s18], [sflag:$0x1] =	stream.indirect.gather [hbm4b:s1+s21], $0x80, s11, s21, $0xb8;
	[tilespmem:$0x1D000] =	vst v63  }
0x1ac: {  	_ =	swait.ge [sflag:s26], $0x4000  }
0x1ad: {  	[sflag:s26] =	ssyncset.done $0x0  }
0x1ae: {  	[sflag:s26] =	ssyncadd.s32 $0xFFFFC000  }
0x1af: {  	[tilespmem:s22], [sflag:$0x2] =	stream.indirect.gather [hbm4b:s1+s21], $0x80, s12, s21, $0xb8;
	[tilespmem:$0x1D000] =	vst v63  }
0x1b0: {  	_ =	swait.ge [sflag:s23], $0x4000  }
0x1b1: {  	[sflag:s23] =	ssyncset.done $0x0  }
0x1b2: {  	[sflag:s23] =	ssyncadd.s32 $0xFFFFC000  }
0x1b3: {  	_ =	swait.ge [sflag:s26], $0x4000  }
0x1b4: {  	s25 =	simm.s32 $0x100;
	s7 =	simm.s32 $0x200;
	[sflag:s26] =	ssyncset.done $0x0  }
.LBB2_5:
0x1b5: {  	s14 =	sadd.s32 s25, s15;
	[sflag:s26] =	ssyncadd.s32 $0xFFFFC000  }
0x1b6: {  	[tilespmem:s4], [sflag:$0x3] =	stream.linear.gather [hbm4b:s14+s4], $0x800, $0x38;
	[tilespmem:$0x1D000] =	vst v63  }
0x1b7: {  	s14 =	rddreg [dreg:$0x5];
	_ =	swait.ge [sflag:s19], $0x800  }
0x1b8: {  	s15 =	smov.u32 s7;
	s13 =	sadd.s32 $0x100, s7;
	[sflag:s19] =	ssyncset.done $0x0  }
0x1b9: {  	p1 =	seq.s32 s7, $0x900;
	s7 =	sadd.s32 s25, s14;
	[sflag:s19] =	ssyncadd.s32 $0xFFFFF800  }
0x1ba: {  	[tilespmem:s20], [sflag:$0x3] =	stream.linear.gather [hbm4b:s7+s4], $0x800, $0x38;
	[tilespmem:$0x1D000] =	vst v63  }
0x1bb: {  	_ =	swait.ge [sflag:s19], $0x800  }
0x1bc: {  	[sflag:s19] =	ssyncset.done $0x0  }
0x1bd: {  	[sflag:s19] =	ssyncadd.s32 $0xFFFFF800  }
0x1be: {  	[tilespmem:s18], [sflag:$0x1] =	stream.indirect.gather [hbm4b:s1+s21], $0x80, s4, s21, $0xb8;
	[tilespmem:$0x1D000] =	vst v63  }
0x1bf: {  	_ = 	snop  }
0x1c0: {  	[tilespmem:s22], [sflag:$0x2] =	stream.indirect.gather [hbm4b:s1+s21], $0x80, s21, s21, $0xb8;
	[tilespmem:$0x1D000] =	vst v63  }
0x1c1: {  	_ =	swait.ge [sflag:s23], $0x4000  }
0x1c2: {  	[sflag:s23] =	ssyncset.done $0x0  }
0x1c3: {  	[sflag:s23] =	ssyncadd.s32 $0xFFFFC000  }
0x1c4: {  	[tilespmem:s18], [sflag:$0x1] =	stream.indirect.gather [hbm4b:s1+s21], $0x80, s24, s21, $0xb8;
	[tilespmem:$0x1D000] =	vst v63  }
0x1c5: {  	_ =	swait.ge [sflag:s26], $0x4000  }
0x1c6: {  	[sflag:s26] =	ssyncset.done $0x0  }
0x1c7: {  	[sflag:s26] =	ssyncadd.s32 $0xFFFFC000  }
0x1c8: {  	[tilespmem:s22], [sflag:$0x2] =	stream.indirect.gather [hbm4b:s1+s21], $0x80, s28, s21, $0xb8;
	[tilespmem:$0x1D000] =	vst v63  }
0x1c9: {  	_ =	swait.ge [sflag:s23], $0x4000  }
0x1ca: {  	[sflag:s23] =	ssyncset.done $0x0  }
0x1cb: {  	[sflag:s23] =	ssyncadd.s32 $0xFFFFC000  }
0x1cc: {  	[tilespmem:s18], [sflag:$0x1] =	stream.indirect.gather [hbm4b:s1+s21], $0x80, s29, s21, $0xb8;
	[tilespmem:$0x1D000] =	vst v63  }
0x1cd: {  	_ =	swait.ge [sflag:s26], $0x4000  }
0x1ce: {  	[sflag:s26] =	ssyncset.done $0x0  }
0x1cf: {  	[sflag:s26] =	ssyncadd.s32 $0xFFFFC000  }
0x1d0: {  	[tilespmem:s22], [sflag:$0x2] =	stream.indirect.gather [hbm4b:s1+s21], $0x80, s30, s21, $0xb8;
	[tilespmem:$0x1D000] =	vst v63  }
0x1d1: {  	_ =	swait.ge [sflag:s23], $0x4000  }
0x1d2: {  	[sflag:s23] =	ssyncset.done $0x0  }
0x1d3: {  	[sflag:s23] =	ssyncadd.s32 $0xFFFFC000  }
0x1d4: {  	[tilespmem:s18], [sflag:$0x1] =	stream.indirect.gather [hbm4b:s1+s21], $0x80, s31, s21, $0xb8;
	[tilespmem:$0x1D000] =	vst v63  }
0x1d5: {  	_ =	swait.ge [sflag:s26], $0x4000  }
0x1d6: {  	[sflag:s26] =	ssyncset.done $0x0  }
0x1d7: {  	[sflag:s26] =	ssyncadd.s32 $0xFFFFC000  }
0x1d8: {  	[tilespmem:s22], [sflag:$0x2] =	stream.indirect.gather [hbm4b:s1+s21], $0x80, s0, s21, $0xb8;
	[tilespmem:$0x1D000] =	vst v63  }
0x1d9: {  	_ =	swait.ge [sflag:s23], $0x4000  }
0x1da: {  	[sflag:s23] =	ssyncset.done $0x0  }
0x1db: {  	[sflag:s23] =	ssyncadd.s32 $0xFFFFC000  }
0x1dc: {  	[tilespmem:s18], [sflag:$0x1] =	stream.indirect.gather [hbm4b:s1+s21], $0x80, s5, s21, $0xb8;
	[tilespmem:$0x1D000] =	vst v63  }
0x1dd: {  	_ =	swait.ge [sflag:s26], $0x4000  }
0x1de: {  	[sflag:s26] =	ssyncset.done $0x0  }
0x1df: {  	[sflag:s26] =	ssyncadd.s32 $0xFFFFC000  }
0x1e0: {  	[tilespmem:s22], [sflag:$0x2] =	stream.indirect.gather [hbm4b:s1+s21], $0x80, s6, s21, $0xb8;
	[tilespmem:$0x1D000] =	vst v63  }
0x1e1: {  	_ =	swait.ge [sflag:s23], $0x4000  }
0x1e2: {  	[sflag:s23] =	ssyncset.done $0x0  }
0x1e3: {  	[sflag:s23] =	ssyncadd.s32 $0xFFFFC000  }
0x1e4: {  	[tilespmem:s18], [sflag:$0x1] =	stream.indirect.gather [hbm4b:s1+s21], $0x80, s3, s21, $0xb8;
	[tilespmem:$0x1D000] =	vst v63  }
0x1e5: {  	_ =	swait.ge [sflag:s26], $0x4000  }
0x1e6: {  	[sflag:s26] =	ssyncset.done $0x0  }
0x1e7: {  	[sflag:s26] =	ssyncadd.s32 $0xFFFFC000  }
0x1e8: {  	[tilespmem:s22], [sflag:$0x2] =	stream.indirect.gather [hbm4b:s1+s21], $0x80, s8, s21, $0xb8;
	[tilespmem:$0x1D000] =	vst v63  }
0x1e9: {  	_ =	swait.ge [sflag:s23], $0x4000  }
0x1ea: {  	[sflag:s23] =	ssyncset.done $0x0  }
0x1eb: {  	[sflag:s23] =	ssyncadd.s32 $0xFFFFC000  }
0x1ec: {  	[tilespmem:s18], [sflag:$0x1] =	stream.indirect.gather [hbm4b:s1+s21], $0x80, s9, s21, $0xb8;
	[tilespmem:$0x1D000] =	vst v63  }
0x1ed: {  	_ =	swait.ge [sflag:s26], $0x4000  }
0x1ee: {  	[sflag:s26] =	ssyncset.done $0x0  }
0x1ef: {  	[sflag:s26] =	ssyncadd.s32 $0xFFFFC000  }
0x1f0: {  	[tilespmem:s22], [sflag:$0x2] =	stream.indirect.gather [hbm4b:s1+s21], $0x80, s10, s21, $0xb8;
	[tilespmem:$0x1D000] =	vst v63  }
0x1f1: {  	_ =	swait.ge [sflag:s23], $0x4000  }
0x1f2: {  	[sflag:s23] =	ssyncset.done $0x0  }
0x1f3: {  	[sflag:s23] =	ssyncadd.s32 $0xFFFFC000  }
0x1f4: {  	[tilespmem:s18], [sflag:$0x1] =	stream.indirect.gather [hbm4b:s1+s21], $0x80, s11, s21, $0xb8;
	[tilespmem:$0x1D000] =	vst v63  }
0x1f5: {  	_ =	swait.ge [sflag:s26], $0x4000  }
0x1f6: {  	[sflag:s26] =	ssyncset.done $0x0  }
0x1f7: {  	[sflag:s26] =	ssyncadd.s32 $0xFFFFC000  }
0x1f8: {  	[tilespmem:s22], [sflag:$0x2] =	stream.indirect.gather [hbm4b:s1+s21], $0x80, s12, s21, $0xb8;
	[tilespmem:$0x1D000] =	vst v63  }
.Ltmp6:
0x1f9: {  	_ =	swait.ge [sflag:s23], $0x4000;
	(pc) =	sbr.rel @!p1 .LBB2_5-.Ltmp6, $4  }
0x1fa: {  	[sflag:s23] =	ssyncset.done $0x0  }
0x1fb: {  	[sflag:s23] =	ssyncadd.s32 $0xFFFFC000  }
0x1fc: {  	s25 =	smov.u32 s15;
	_ =	swait.ge [sflag:s26], $0x4000  }
0x1fd: {  	s15 =	smov.u32 s17;
	s7 =	smov.u32 s13;
	[sflag:s26] =	ssyncset.done $0x0  }
.Ltmp7:
0x1fe: {  	_ = 	snop;
	(pc) =	sbr.rel .LBB2_6-.Ltmp7, $1  }
0x1ff: {  	_ =	sdelay $0x3  }
.LBB2_11:
0x200: {  	_ =	sfence.sel $0x180000  }
0x201: {  	[bflag:$0x0] =	sbarrier.arrive $0xFFFF  }
0x202: {  	_ =	strace $0x90000047  }
0x203: {  	s0 =	stileid.u32;
	[bflag:$0x2] =	sbarrier.arrive $0xFFFF  }
0x204: {  	p0 =	sne.s32 s0, $0x0;
	s0 =	rddreg [dreg:$0x4]  }
0x205: {  	s0 =	sadd.s32 @!p0 $0x100000, s0  }
0x206: {  	[sflag:s0] =	ssyncadd.tile.s32 @!p0 $0x1;
	_ =	shalt  }
.Lfunc_end2:
_tile_overlayer_lowered:
.L_overlay_start_2:
0x207: {  	(tag) =	ssettag $0x2  }
0x208: {  	s0 =	rddreg [dreg:$0x0];
	s2 =	stileid.u32  }
0x209: {  	s1 =	rddreg [dreg:$0x1];
	p0 =	sne.s32 s2, $0x0  }
0x20a: {  	s3 =	rddreg [dreg:$0x2];
	[bflag:$0x3] =	sbarrier.arrive $0xFFFF;
	s2 =	simm.s32 @!p0 $0x1C03  }
0x20b: {  	[timem:s3], [sflag:s2] =	dma.local @!p0 [hbm:s0], s1  }
0x20c: {  	s0 =	simm.s32 @!p0 $0x3  }
0x20d: {  	_ =	swait.ge @!p0 [sflag:s0], s1  }
0x20e: {  	s1 =	ssub.s32 @!p0 $0x0, s1;
	[sflag:s0] =	ssyncset.done @!p0 $0x0  }
0x20f: {  	[sflag:s0] =	ssyncadd.s32 @!p0 s1  }
0x210: {  	[bflag:$0x3] =	sbarrier.arrive $0xFFFF  }
0x211: {  	_ =	shalt  }

</sc_bundles>
